<compile_context>
chip_gen: v7x
topology: tpu7x:2x2x1
jax: 0.10.2.dev20260603
libtpu: 0.0.44.dev20260713+nightly
codegen_flags: <defaults>
</compile_context>

<pallas_src>
import functools
import math

import jax
import jax.numpy as jnp
from jax import lax
from jax.experimental import pallas as pl
from jax.experimental.pallas import tpu as pltpu
from jax.experimental.pallas import tpu_sc as plsc

_NUM_CORES = 2
_NUM_TILES = 16
_CHUNK = 128




@functools.lru_cache(maxsize=None)
def _make_deg_kernel(C, n_deg):
  rpt = n_deg // _NUM_TILES
  mesh = plsc.VectorSubcoreMesh(core_axis_name="c", subcore_axis_name="s")

  @functools.partial(
      pl.kernel,
      out_type=jax.ShapeDtypeStruct((_NUM_CORES, n_deg, _CHUNK), jnp.float32),
      mesh=mesh,
      scratch_types=[
          pltpu.VMEM((C, _CHUNK), jnp.int32),
          pltpu.VMEM((_CHUNK, _CHUNK), jnp.float32),
          pltpu.VMEM_SHARED((n_deg, _CHUNK), jnp.float32),
      ],
  )
  def deg_kernel(dst_hbm, out_hbm, dst_v, ones_v, acc):
    c = lax.axis_index("c")
    s = lax.axis_index("s")
    slab = c * _NUM_TILES + s
    pltpu.sync_copy(dst_hbm.at[slab], dst_v)

    @pl.loop(0, _CHUNK)
    def _(i):
      @pl.loop(0, _CHUNK // 16)
      def _(q):
        ones_v[i, pl.ds(q * 16, 16)] = jnp.zeros((16,), jnp.float32)

    r0 = s * rpt

    @pl.loop(0, rpt // _CHUNK)
    def _(k):
      pltpu.sync_copy(ones_v, acc.at[pl.ds(r0 + k * _CHUNK, _CHUNK)])

    rem = rpt % _CHUNK
    if rem:
      pltpu.sync_copy(ones_v.at[pl.ds(0, rem)],
                      acc.at[pl.ds(r0 + rpt - rem, rem)])

    @pl.loop(0, _CHUNK)
    def _(i):
      @pl.loop(0, _CHUNK // 16)
      def _(q):
        ones_v[i, pl.ds(q * 16, 16)] = jnp.ones((16,), jnp.float32)

    plsc.subcore_barrier()

    @pl.loop(0, C)
    def _(j):
      pltpu.sync_copy(ones_v, acc.at[dst_v.at[j]], add=True)

    plsc.subcore_barrier()
    pltpu.sync_copy(acc.at[pl.ds(r0, rpt)], out_hbm.at[c, pl.ds(r0, rpt)])

  return deg_kernel


@functools.lru_cache(maxsize=None)
def _make_agg_kernel(C, half, d):
  acc_rows = half + _CHUNK
  rpt = half // _NUM_TILES
  mesh = plsc.VectorSubcoreMesh(core_axis_name="c", subcore_axis_name="s")

  @functools.partial(
      pl.kernel,
      out_type=jax.ShapeDtypeStruct((_NUM_CORES, half, d), jnp.float32),
      mesh=mesh,
      scratch_types=[
          pltpu.VMEM((C, _CHUNK), jnp.int32),
          pltpu.VMEM((C, _CHUNK), jnp.int32),
          pltpu.VMEM((_CHUNK, d), jnp.float32),
          pltpu.VMEM((_CHUNK, d), jnp.float32),
          pltpu.VMEM((_CHUNK, d), jnp.float32),
          pltpu.VMEM_SHARED((acc_rows, d), jnp.float32),
          pltpu.SemaphoreType.DMA,
          pltpu.SemaphoreType.DMA,
      ],
  )
  def agg_kernel(u_hbm, src_hbm, dst_hbm, out_hbm,
                 src_v, dst_v, rows0, rows1, zero_v, acc, g0, g1):
    c = lax.axis_index("c")
    s = lax.axis_index("s")
    pltpu.sync_copy(src_hbm.at[s], src_v)
    pltpu.sync_copy(dst_hbm.at[c, s], dst_v)

    @pl.loop(0, _CHUNK)
    def _(i):
      @pl.loop(0, d // 16)
      def _(q):
        zero_v[i, pl.ds(q * 16, 16)] = jnp.zeros((16,), jnp.float32)

    r0 = s * rpt

    @pl.loop(0, rpt // _CHUNK)
    def _(k):
      pltpu.sync_copy(zero_v, acc.at[pl.ds(r0 + k * _CHUNK, _CHUNK)])

    rem = rpt % _CHUNK
    if rem:
      pltpu.sync_copy(zero_v.at[pl.ds(0, rem)],
                      acc.at[pl.ds(r0 + rpt - rem, rem)])
    plsc.subcore_barrier()

    @pl.loop(0, C)
    def _(j):
      pltpu.async_copy(u_hbm.at[src_v.at[j]], rows0, g0).wait()
      pltpu.sync_copy(rows0, acc.at[dst_v.at[j]], add=True)

    plsc.subcore_barrier()
    pltpu.sync_copy(acc.at[pl.ds(r0, rpt)], out_hbm.at[c, pl.ds(r0, rpt)])

  return agg_kernel




def _dinv(deg_ref):
  return lax.rsqrt(deg_ref[0, :, 0:1] + deg_ref[1, :, 0:1] + 1.0)


def _tc_a_body(x_ref, w_ref, deg_ref, u_ref):
  h = jnp.dot(x_ref[...], w_ref[...], preferred_element_type=jnp.float32)
  u_ref[...] = h * _dinv(deg_ref)


def _tc_b_body(p_ref, u_ref, deg_ref, b_ref, o_ref):
  dinv = _dinv(deg_ref)
  agg = (p_ref[...] + u_ref[...]) * dinv + b_ref[...]
  o_ref[...] = jnp.maximum(agg, 0.0) * dinv


def _tc_c_body(q_ref, u_ref, deg_ref, b_ref, w_ref, z_ref):
  g = (q_ref[...] + u_ref[...]) * _dinv(deg_ref)
  z_ref[...] = (
      jnp.dot(g, w_ref[...], preferred_element_type=jnp.float32) + b_ref[...])


def _row_block(n):
  for r in (1024, 1000, 512, 500, 256, 250, 128, 8):
    if n % r == 0:
      return r
  return n


def _tc_a(x, w1, degp):
  n, d_in = x.shape
  d_h = w1.shape[1]
  r = _row_block(n)
  return pl.pallas_call(
      _tc_a_body,
      grid=(n // r,),
      in_specs=[
          pl.BlockSpec((r, d_in), lambda i: (i, 0)),
          pl.BlockSpec((d_in, d_h), lambda i: (0, 0)),
          pl.BlockSpec((2, r, _CHUNK), lambda i: (0, i, 0)),
      ],
      out_specs=pl.BlockSpec((r, d_h), lambda i: (i, 0)),
      out_shape=jax.ShapeDtypeStruct((n, d_h), jnp.float32),
  )(x, w1, degp)


def _tc_b(p, u1, degp, b1):
  n, d_h = u1.shape
  r = _row_block(n)
  return pl.pallas_call(
      _tc_b_body,
      grid=(n // r,),
      in_specs=[
          pl.BlockSpec((r, d_h), lambda i: (i, 0)),
          pl.BlockSpec((r, d_h), lambda i: (i, 0)),
          pl.BlockSpec((2, r, _CHUNK), lambda i: (0, i, 0)),
          pl.BlockSpec((1, d_h), lambda i: (0, 0)),
      ],
      out_specs=pl.BlockSpec((r, d_h), lambda i: (i, 0)),
      out_shape=jax.ShapeDtypeStruct((n, d_h), jnp.float32),
  )(p, u1, degp, b1)


def _tc_c(q, v, degp, b2, w2):
  n, d_h = v.shape
  d_o = w2.shape[1]
  r = _row_block(n)
  return pl.pallas_call(
      _tc_c_body,
      grid=(n // r,),
      in_specs=[
          pl.BlockSpec((r, d_h), lambda i: (i, 0)),
          pl.BlockSpec((r, d_h), lambda i: (i, 0)),
          pl.BlockSpec((2, r, _CHUNK), lambda i: (0, i, 0)),
          pl.BlockSpec((1, d_o), lambda i: (0, 0)),
          pl.BlockSpec((d_h, d_o), lambda i: (0, 0)),
      ],
      out_specs=pl.BlockSpec((r, d_o), lambda i: (i, 0)),
      out_shape=jax.ShapeDtypeStruct((n, d_o), jnp.float32),
  )(q, v, degp, b2, w2)




def kernel(x, edge_index, W1, b1, W2, b2):
  n = x.shape[0]
  e = edge_index.shape[1]

  half = (_NUM_TILES * 32) * math.ceil((n + 2) / 2 / (_NUM_TILES * 32))
  n_pad = 2 * half

  chunks = math.ceil(e / (_NUM_TILES * _CHUNK))
  chunks += chunks % 2
  e_pad = _NUM_TILES * chunks * _CHUNK
  pad = e_pad - e

  src = edge_index[0]
  dst = edge_index[1]
  src_p = jnp.concatenate(
      [src, jnp.zeros((pad,), jnp.int32)]).reshape(_NUM_TILES, chunks, _CHUNK)
  dst_f = jnp.concatenate([dst, jnp.full((pad,), n, jnp.int32)])
  trash = half
  dst_lo = jnp.where(dst_f < half, dst_f, trash)
  dst_hi = jnp.where(dst_f >= half, dst_f - half, trash)
  dst_p = jnp.stack([dst_lo, dst_hi]).reshape(
      _NUM_CORES, _NUM_TILES, chunks, _CHUNK)

  n_deg = _CHUNK * math.ceil((n + 1) / _CHUNK)
  dst_deg = dst_f.reshape(_NUM_CORES * _NUM_TILES, chunks // 2, _CHUNK)
  degp = _make_deg_kernel(chunks // 2, n_deg)(dst_deg)

  u1 = _tc_a(x, W1, degp)
  agg = _make_agg_kernel(chunks, half, u1.shape[1])
  p = agg(u1, src_p, dst_p)
  v = _tc_b(p.reshape(n_pad, -1), u1, degp, b1.reshape(1, -1))
  q = agg(v, src_p, dst_p)
  z = _tc_c(q.reshape(n_pad, -1), v, degp, b2.reshape(1, -1), W2)
  return z

# --- scband reference (transcript-rebuilt; emitter-appended) ---
"""Pipeline reference for scband-net-73383811219900 (READ-ONLY COPY).

The authoritative reference and input builder live on the scoring server;
editing this copy changes nothing except your own understanding.
"""

import jax, jax.numpy as jnp
import numpy as np

N = 10000
E = 320000
D_IN = 128
D_HID = 128
D_OUT = 64


def setup_inputs(seed: int = 0) -> dict:
    key = jax.random.key(seed)
    k1, k2, k3, k4 = jax.random.split(key, 4)
    x = jax.random.normal(k1, (N, D_IN), dtype=jnp.float32)
    edge_index = jax.random.randint(k2, (2, E), 0, N, dtype=jnp.int32)
    W1 = jax.random.normal(k3, (D_IN, D_HID), dtype=jnp.float32) * (1.0 / np.sqrt(D_IN))
    b1 = jnp.zeros((D_HID,), dtype=jnp.float32)
    W2 = jax.random.normal(k4, (D_HID, D_OUT), dtype=jnp.float32) * (1.0 / np.sqrt(D_HID))
    b2 = jnp.zeros((D_OUT,), dtype=jnp.float32)
    return {"x": x, "edge_index": edge_index, "W1": W1, "b1": b1, "W2": W2, "b2": b2}


def _gcn_conv(x, edge_index, W, b):
    # GCNConv: add self-loops, symmetric normalization D^-1/2 (A+I) D^-1/2 X W + b
    num_nodes = x.shape[0]
    src = edge_index[0]
    dst = edge_index[1]
    loop = jnp.arange(num_nodes, dtype=src.dtype)
    src = jnp.concatenate([src, loop])
    dst = jnp.concatenate([dst, loop])
    deg = jnp.zeros((num_nodes,), dtype=x.dtype).at[dst].add(1.0)
    dinv = jax.lax.rsqrt(jnp.maximum(deg, 1.0))
    norm = dinv[src] * dinv[dst]
    h = x @ W
    msg = jnp.take(h, src, axis=0) * norm[:, None]
    out = jnp.zeros((num_nodes, W.shape[1]), dtype=x.dtype).at[dst].add(msg)
    return out + b


def reference(x, edge_index, W1, b1, W2, b2):
    # encode(): conv1 -> relu -> conv2
    h = _gcn_conv(x, edge_index, W1, b1)
    h = jax.nn.relu(h)
    z = _gcn_conv(h, edge_index, W2, b2)
    return z

if __name__ == "__main__":
    import jax
    _d = setup_inputs()
    print(jax.jit(kernel)(*tuple(_d.values())))

</pallas_src>

<mosaic_0001>
#map = affine_map<(d0, d1) -> (0, 0, 0)>
module attributes {stable_mosaic.version = 14 : i64} {
  func.func @deg_kernel(%arg0: i32, %arg1: i32, %arg2: memref<32x79x128xi32, #tpu.memory_space<hbm>>, %arg3: memref<2x10112x128xf32, #tpu.memory_space<hbm>>, %arg4: memref<79x128xi32, #tpu.memory_space<vmem>>, %arg5: memref<128x128xf32, #tpu.memory_space<vmem>>, %arg6: memref<10112x128xf32, #tpu.memory_space<vmem_shared>>) attributes {dimension_semantics = [#tpu.dimension_semantics<core_parallel>, #tpu.dimension_semantics<subcore_parallel>], iteration_bounds = array<i64: 2, 16>, scalar_prefetch = 0 : i64, scratch_operands = 3 : i64, tpu.core_type = #tpu.core_type<sc_vector_subcore>, window_params = [{transform_indices = #map}, {transform_indices = #map}]} {
    %mul3A = arith.constant 16 : i32
    %mul3A_0 = arith.muli %arg0, %mul3A : i32
    %add3A = arith.addi %mul3A_0, %arg1 : i32
    "tpu.region"() ({
      %run_scoped3A = tpu.sem_alloc : memref<!tpu.dma_semaphore, #tpu.memory_space<semaphore_mem>>
      %dma_start3A = arith.constant 0 : i32
      %dma_start3A_26 = arith.constant 0 : i32
      %dma_start3A_27 = tpu.memref_slice %arg2[%add3A, %dma_start3A, %dma_start3A_26] : memref<32x79x128xi32, #tpu.memory_space<hbm>> -> memref<1x79x128xi32, #tpu.memory_space<hbm>>
      %dma_start3A_28 = tpu.memref_squeeze %dma_start3A_27 : memref<1x79x128xi32, #tpu.memory_space<hbm>> -> memref<79x128xi32, #tpu.memory_space<hbm>>
      %dma_start3A_29 = arith.constant 0 : i32
      %dma_start3A_30 = arith.constant 0 : i32
      %dma_start3A_31 = tpu.memref_slice %arg2[%add3A, %dma_start3A_29, %dma_start3A_30] : memref<32x79x128xi32, #tpu.memory_space<hbm>> -> memref<1x79x128xi32, #tpu.memory_space<hbm>>
      %dma_start3A_32 = tpu.memref_squeeze %dma_start3A_31 : memref<1x79x128xi32, #tpu.memory_space<hbm>> -> memref<79x128xi32, #tpu.memory_space<hbm>>
      tpu.enqueue_dma source(%dma_start3A_32 : memref<79x128xi32, #tpu.memory_space<hbm>>) target(%arg4 : memref<79x128xi32, #tpu.memory_space<vmem>>) target_semaphore(%run_scoped3A : memref<!tpu.dma_semaphore, #tpu.memory_space<semaphore_mem>>)
      %dma_wait3A = arith.constant 0 : i32
      %dma_wait3A_33 = arith.constant 0 : i32
      %dma_wait3A_34 = tpu.memref_slice %arg2[%add3A, %dma_wait3A, %dma_wait3A_33] : memref<32x79x128xi32, #tpu.memory_space<hbm>> -> memref<1x79x128xi32, #tpu.memory_space<hbm>>
      %dma_wait3A_35 = tpu.memref_squeeze %dma_wait3A_34 : memref<1x79x128xi32, #tpu.memory_space<hbm>> -> memref<79x128xi32, #tpu.memory_space<hbm>>
      %dma_wait3A_36 = arith.constant 0 : i32
      %dma_wait3A_37 = arith.constant 0 : i32
      %dma_wait3A_38 = tpu.memref_slice %arg2[%add3A, %dma_wait3A_36, %dma_wait3A_37] : memref<32x79x128xi32, #tpu.memory_space<hbm>> -> memref<1x79x128xi32, #tpu.memory_space<hbm>>
      %dma_wait3A_39 = tpu.memref_squeeze %dma_wait3A_38 : memref<1x79x128xi32, #tpu.memory_space<hbm>> -> memref<79x128xi32, #tpu.memory_space<hbm>>
      tpu.wait_dma2 semaphore(%run_scoped3A : memref<!tpu.dma_semaphore, #tpu.memory_space<semaphore_mem>>) src(%dma_wait3A_39 : memref<79x128xi32, #tpu.memory_space<hbm>>) dst(%arg4 : memref<79x128xi32, #tpu.memory_space<vmem>>)
      tpu.yield
    }) : () -> ()
    %scan3A = arith.constant 0 : i32
    %scan3A_1 = arith.constant 128 : i32
    %scan3A_2 = arith.addi %scan3A, %scan3A_1 : i32
    %scan3A_3 = arith.constant 1 : i32
    scf.for %scan3A_26 = %scan3A to %scan3A_2 step %scan3A_3  : i32 {
      %mul3A_27 = arith.constant 1 : i32
      %mul3A_28 = arith.muli %scan3A_26, %mul3A_27 : i32
      %add3A_29 = arith.constant 0 : i32
      %add3A_30 = arith.addi %add3A_29, %mul3A_28 : i32
      %scan3A_31 = arith.constant 0 : i32
      %scan3A_32 = arith.constant 8 : i32
      %scan3A_33 = arith.addi %scan3A_31, %scan3A_32 : i32
      %scan3A_34 = arith.constant 1 : i32
      scf.for %scan3A_36 = %scan3A_31 to %scan3A_33 step %scan3A_34  : i32 {
        %mul3A_37 = arith.constant 1 : i32
        %mul3A_38 = arith.muli %scan3A_36, %mul3A_37 : i32
        %add3A_39 = arith.constant 0 : i32
        %add3A_40 = arith.addi %add3A_39, %mul3A_38 : i32
        %broadcast_in_dim3A = arith.constant 0.000000e+00 : f32
        %broadcast_in_dim3A_41 = vector.broadcast %broadcast_in_dim3A : f32 to vector<16xf32>
        %mul3A_42 = arith.constant 16 : i32
        %mul3A_43 = arith.muli %add3A_40, %mul3A_42 : i32
        %swap3A = arith.index_cast %add3A_30 : i32 to index
        %swap3A_44 = arith.index_cast %mul3A_43 : i32 to index
        %swap3A_45 = tpu.vector_load %arg5[%swap3A, %swap3A_44] {strides = array<i32>} : memref<128x128xf32, #tpu.memory_space<vmem>>, vector<1x16xf32>,
        %swap3A_46 = vector.shape_cast %swap3A_45 : vector<1x16xf32> to vector<16xf32>
        %swap3A_47 = vector.shape_cast %broadcast_in_dim3A_41 : vector<16xf32> to vector<1x16xf32>
        tpu.vector_store %arg5[%swap3A, %swap3A_44], %swap3A_47 {strides = array<i32>} : memref<128x128xf32, #tpu.memory_space<vmem>>, vector<1x16xf32>,
      }
      %scan3A_35 = arith.constant 8 : i32
    }
    %scan3A_4 = arith.constant 128 : i32
    %mul3A_5 = arith.constant 632 : i32
    %mul3A_6 = arith.muli %arg1, %mul3A_5 : i32
    %scan3A_7 = arith.constant 0 : i32
    %scan3A_8 = arith.constant 4 : i32
    %scan3A_9 = arith.addi %scan3A_7, %scan3A_8 : i32
    %scan3A_10 = arith.constant 1 : i32
    scf.for %scan3A_26 = %scan3A_7 to %scan3A_9 step %scan3A_10  : i32 {
      %mul3A_27 = arith.constant 1 : i32
      %mul3A_28 = arith.muli %scan3A_26, %mul3A_27 : i32
      %add3A_29 = arith.constant 0 : i32
      %add3A_30 = arith.addi %add3A_29, %mul3A_28 : i32
      %mul3A_31 = arith.constant 128 : i32
      %mul3A_32 = arith.muli %add3A_30, %mul3A_31 : i32
      %add3A_33 = arith.addi %mul3A_6, %mul3A_32 : i32
      "tpu.region"() ({
        %run_scoped3A = tpu.sem_alloc : memref<!tpu.dma_semaphore, #tpu.memory_space<semaphore_mem>>
        %dma_start3A = arith.constant 0 : i32
        %dma_start3A_34 = tpu.memref_slice %arg6[%add3A_33, %dma_start3A] : memref<10112x128xf32, #tpu.memory_space<vmem_shared>> -> memref<128x128xf32, #tpu.memory_space<vmem_shared>>
        %dma_start3A_35 = arith.constant 0 : i32
        %dma_start3A_36 = tpu.memref_slice %arg6[%add3A_33, %dma_start3A_35] : memref<10112x128xf32, #tpu.memory_space<vmem_shared>> -> memref<128x128xf32, #tpu.memory_space<vmem_shared>>
        tpu.enqueue_dma source(%arg5 : memref<128x128xf32, #tpu.memory_space<vmem>>) target(%dma_start3A_36 : memref<128x128xf32, #tpu.memory_space<vmem_shared>>) target_semaphore(%run_scoped3A : memref<!tpu.dma_semaphore, #tpu.memory_space<semaphore_mem>>)
        %dma_wait3A = arith.constant 0 : i32
        %dma_wait3A_37 = tpu.memref_slice %arg6[%add3A_33, %dma_wait3A] : memref<10112x128xf32, #tpu.memory_space<vmem_shared>> -> memref<128x128xf32, #tpu.memory_space<vmem_shared>>
        %dma_wait3A_38 = arith.constant 0 : i32
        %dma_wait3A_39 = tpu.memref_slice %arg6[%add3A_33, %dma_wait3A_38] : memref<10112x128xf32, #tpu.memory_space<vmem_shared>> -> memref<128x128xf32, #tpu.memory_space<vmem_shared>>
        tpu.wait_dma2 semaphore(%run_scoped3A : memref<!tpu.dma_semaphore, #tpu.memory_space<semaphore_mem>>) src(%arg5 : memref<128x128xf32, #tpu.memory_space<vmem>>) dst(%dma_wait3A_39 : memref<128x128xf32, #tpu.memory_space<vmem_shared>>)
        tpu.yield
      }) : () -> ()
    }
    %scan3A_11 = arith.constant 4 : i32
    %add3A_12 = arith.constant 632 : i32
    %add3A_13 = arith.addi %mul3A_6, %add3A_12 : i32
    %sub3A = arith.constant 120 : i32
    %sub3A_14 = arith.subi %add3A_13, %sub3A : i32
    "tpu.region"() ({
      %run_scoped3A = tpu.sem_alloc : memref<!tpu.dma_semaphore, #tpu.memory_space<semaphore_mem>>
      %dma_start3A = arith.constant 0 : i32
      %dma_start3A_26 = arith.constant 0 : i32
      %dma_start3A_27 = tpu.memref_slice %arg5[%dma_start3A, %dma_start3A_26] : memref<128x128xf32, #tpu.memory_space<vmem>> -> memref<120x128xf32, #tpu.memory_space<vmem>>
      %dma_start3A_28 = arith.constant 0 : i32
      %dma_start3A_29 = tpu.memref_slice %arg6[%sub3A_14, %dma_start3A_28] : memref<10112x128xf32, #tpu.memory_space<vmem_shared>> -> memref<120x128xf32, #tpu.memory_space<vmem_shared>>
      %dma_start3A_30 = arith.constant 0 : i32
      %dma_start3A_31 = tpu.memref_slice %arg6[%sub3A_14, %dma_start3A_30] : memref<10112x128xf32, #tpu.memory_space<vmem_shared>> -> memref<120x128xf32, #tpu.memory_space<vmem_shared>>
      %dma_start3A_32 = arith.constant 0 : i32
      %dma_start3A_33 = arith.constant 0 : i32
      %dma_start3A_34 = tpu.memref_slice %arg5[%dma_start3A_32, %dma_start3A_33] : memref<128x128xf32, #tpu.memory_space<vmem>> -> memref<120x128xf32, #tpu.memory_space<vmem>>
      tpu.enqueue_dma source(%dma_start3A_34 : memref<120x128xf32, #tpu.memory_space<vmem>>) target(%dma_start3A_31 : memref<120x128xf32, #tpu.memory_space<vmem_shared>>) target_semaphore(%run_scoped3A : memref<!tpu.dma_semaphore, #tpu.memory_space<semaphore_mem>>)
      %dma_wait3A = arith.constant 0 : i32
      %dma_wait3A_35 = arith.constant 0 : i32
      %dma_wait3A_36 = tpu.memref_slice %arg5[%dma_wait3A, %dma_wait3A_35] : memref<128x128xf32, #tpu.memory_space<vmem>> -> memref<120x128xf32, #tpu.memory_space<vmem>>
      %dma_wait3A_37 = arith.constant 0 : i32
      %dma_wait3A_38 = tpu.memref_slice %arg6[%sub3A_14, %dma_wait3A_37] : memref<10112x128xf32, #tpu.memory_space<vmem_shared>> -> memref<120x128xf32, #tpu.memory_space<vmem_shared>>
      %dma_wait3A_39 = arith.constant 0 : i32
      %dma_wait3A_40 = tpu.memref_slice %arg6[%sub3A_14, %dma_wait3A_39] : memref<10112x128xf32, #tpu.memory_space<vmem_shared>> -> memref<120x128xf32, #tpu.memory_space<vmem_shared>>
      %dma_wait3A_41 = arith.constant 0 : i32
      %dma_wait3A_42 = arith.constant 0 : i32
      %dma_wait3A_43 = tpu.memref_slice %arg5[%dma_wait3A_41, %dma_wait3A_42] : memref<128x128xf32, #tpu.memory_space<vmem>> -> memref<120x128xf32, #tpu.memory_space<vmem>>
      tpu.wait_dma2 semaphore(%run_scoped3A : memref<!tpu.dma_semaphore, #tpu.memory_space<semaphore_mem>>) src(%dma_wait3A_43 : memref<120x128xf32, #tpu.memory_space<vmem>>) dst(%dma_wait3A_40 : memref<120x128xf32, #tpu.memory_space<vmem_shared>>)
      tpu.yield
    }) : () -> ()
    %scan3A_15 = arith.constant 0 : i32
    %scan3A_16 = arith.constant 128 : i32
    %scan3A_17 = arith.addi %scan3A_15, %scan3A_16 : i32
    %scan3A_18 = arith.constant 1 : i32
    scf.for %scan3A_26 = %scan3A_15 to %scan3A_17 step %scan3A_18  : i32 {
      %mul3A_27 = arith.constant 1 : i32
      %mul3A_28 = arith.muli %scan3A_26, %mul3A_27 : i32
      %add3A_29 = arith.constant 0 : i32
      %add3A_30 = arith.addi %add3A_29, %mul3A_28 : i32
      %scan3A_31 = arith.constant 0 : i32
      %scan3A_32 = arith.constant 8 : i32
      %scan3A_33 = arith.addi %scan3A_31, %scan3A_32 : i32
      %scan3A_34 = arith.constant 1 : i32
      scf.for %scan3A_36 = %scan3A_31 to %scan3A_33 step %scan3A_34  : i32 {
        %mul3A_37 = arith.constant 1 : i32
        %mul3A_38 = arith.muli %scan3A_36, %mul3A_37 : i32
        %add3A_39 = arith.constant 0 : i32
        %add3A_40 = arith.addi %add3A_39, %mul3A_38 : i32
        %broadcast_in_dim3A = arith.constant 1.000000e+00 : f32
        %broadcast_in_dim3A_41 = vector.broadcast %broadcast_in_dim3A : f32 to vector<16xf32>
        %mul3A_42 = arith.constant 16 : i32
        %mul3A_43 = arith.muli %add3A_40, %mul3A_42 : i32
        %swap3A = arith.index_cast %add3A_30 : i32 to index
        %swap3A_44 = arith.index_cast %mul3A_43 : i32 to index
        %swap3A_45 = tpu.vector_load %arg5[%swap3A, %swap3A_44] {strides = array<i32>} : memref<128x128xf32, #tpu.memory_space<vmem>>, vector<1x16xf32>,
        %swap3A_46 = vector.shape_cast %swap3A_45 : vector<1x16xf32> to vector<16xf32>
        %swap3A_47 = vector.shape_cast %broadcast_in_dim3A_41 : vector<16xf32> to vector<1x16xf32>
        tpu.vector_store %arg5[%swap3A, %swap3A_44], %swap3A_47 {strides = array<i32>} : memref<128x128xf32, #tpu.memory_space<vmem>>, vector<1x16xf32>,
      }
      %scan3A_35 = arith.constant 8 : i32
    }
    %scan3A_19 = arith.constant 128 : i32
    %barrier3A = arith.constant 0 : index
    tpu.barrier barrier_id(%barrier3A)
    %scan3A_20 = arith.constant 0 : i32
    %scan3A_21 = arith.constant 79 : i32
    %scan3A_22 = arith.addi %scan3A_20, %scan3A_21 : i32
    %scan3A_23 = arith.constant 1 : i32
    scf.for %scan3A_26 = %scan3A_20 to %scan3A_22 step %scan3A_23  : i32 {
      %mul3A_27 = arith.constant 1 : i32
      %mul3A_28 = arith.muli %scan3A_26, %mul3A_27 : i32
      %add3A_29 = arith.constant 0 : i32
      %add3A_30 = arith.addi %add3A_29, %mul3A_28 : i32
      "tpu.region"() ({
        %run_scoped3A = tpu.sem_alloc : memref<!tpu.dma_semaphore, #tpu.memory_space<semaphore_mem>>
        %dma_start3A = arith.constant 0 : i32
        %dma_start3A_31 = tpu.memref_slice %arg4[%add3A_30, %dma_start3A] : memref<79x128xi32, #tpu.memory_space<vmem>> -> memref<1x128xi32, #tpu.memory_space<vmem>>
        %dma_start3A_32 = tpu.memref_squeeze %dma_start3A_31 : memref<1x128xi32, #tpu.memory_space<vmem>> -> memref<128xi32, #tpu.memory_space<vmem>>
        %dma_start3A_33 = arith.constant 0 : i32
        %dma_start3A_34 = arith.constant 0 : i32
        %dma_start3A_35 = tpu.memref_slice %arg6[%dma_start3A_33, %dma_start3A_34] : memref<10112x128xf32, #tpu.memory_space<vmem_shared>> -> memref<10112x128xf32, #tpu.memory_space<vmem_shared>>
        tpu.enqueue_indirect_dma source(%arg5 : memref<128x128xf32, #tpu.memory_space<vmem>>) target(%dma_start3A_35 : memref<10112x128xf32, #tpu.memory_space<vmem_shared>>) offsets(%dma_start3A_32 : memref<128xi32, #tpu.memory_space<vmem>>) semaphore(%run_scoped3A : memref<!tpu.dma_semaphore, #tpu.memory_space<semaphore_mem>>) {add = true}
        %dma_wait3A = arith.constant 0 : i32
        %dma_wait3A_36 = tpu.memref_slice %arg4[%add3A_30, %dma_wait3A] : memref<79x128xi32, #tpu.memory_space<vmem>> -> memref<1x128xi32, #tpu.memory_space<vmem>>
        %dma_wait3A_37 = tpu.memref_squeeze %dma_wait3A_36 : memref<1x128xi32, #tpu.memory_space<vmem>> -> memref<128xi32, #tpu.memory_space<vmem>>
        %dma_wait3A_38 = arith.constant 0 : i32
        %dma_wait3A_39 = arith.constant 0 : i32
        %dma_wait3A_40 = tpu.memref_slice %arg6[%dma_wait3A_38, %dma_wait3A_39] : memref<10112x128xf32, #tpu.memory_space<vmem_shared>> -> memref<10112x128xf32, #tpu.memory_space<vmem_shared>>
        tpu.wait_indirect_dma semaphore(%run_scoped3A : memref<!tpu.dma_semaphore, #tpu.memory_space<semaphore_mem>>) src(%arg5 : memref<128x128xf32, #tpu.memory_space<vmem>>) dst(%dma_wait3A_40 : memref<10112x128xf32, #tpu.memory_space<vmem_shared>>)
        tpu.yield
      }) : () -> ()
    }
    %scan3A_24 = arith.constant 79 : i32
    %barrier3A_25 = arith.constant 0 : index
    tpu.barrier barrier_id(%barrier3A_25)
    "tpu.region"() ({
      %run_scoped3A = tpu.sem_alloc : memref<!tpu.dma_semaphore, #tpu.memory_space<semaphore_mem>>
      %dma_start3A = arith.constant 0 : i32
      %dma_start3A_26 = tpu.memref_slice %arg3[%arg0, %mul3A_6, %dma_start3A] : memref<2x10112x128xf32, #tpu.memory_space<hbm>> -> memref<1x632x128xf32, #tpu.memory_space<hbm>>
      %dma_start3A_27 = tpu.memref_squeeze %dma_start3A_26 : memref<1x632x128xf32, #tpu.memory_space<hbm>> -> memref<632x128xf32, #tpu.memory_space<hbm>>
      %dma_start3A_28 = arith.constant 0 : i32
      %dma_start3A_29 = tpu.memref_slice %arg6[%mul3A_6, %dma_start3A_28] : memref<10112x128xf32, #tpu.memory_space<vmem_shared>> -> memref<632x128xf32, #tpu.memory_space<vmem_shared>>
      tpu.enqueue_dma source(%dma_start3A_29 : memref<632x128xf32, #tpu.memory_space<vmem_shared>>) target(%dma_start3A_27 : memref<632x128xf32, #tpu.memory_space<hbm>>) target_semaphore(%run_scoped3A : memref<!tpu.dma_semaphore, #tpu.memory_space<semaphore_mem>>)
      %dma_wait3A = arith.constant 0 : i32
      %dma_wait3A_30 = tpu.memref_slice %arg3[%arg0, %mul3A_6, %dma_wait3A] : memref<2x10112x128xf32, #tpu.memory_space<hbm>> -> memref<1x632x128xf32, #tpu.memory_space<hbm>>
      %dma_wait3A_31 = tpu.memref_squeeze %dma_wait3A_30 : memref<1x632x128xf32, #tpu.memory_space<hbm>> -> memref<632x128xf32, #tpu.memory_space<hbm>>
      %dma_wait3A_32 = arith.constant 0 : i32
      %dma_wait3A_33 = tpu.memref_slice %arg6[%mul3A_6, %dma_wait3A_32] : memref<10112x128xf32, #tpu.memory_space<vmem_shared>> -> memref<632x128xf32, #tpu.memory_space<vmem_shared>>
      tpu.wait_dma2 semaphore(%run_scoped3A : memref<!tpu.dma_semaphore, #tpu.memory_space<semaphore_mem>>) src(%dma_wait3A_33 : memref<632x128xf32, #tpu.memory_space<vmem_shared>>) dst(%dma_wait3A_31 : memref<632x128xf32, #tpu.memory_space<hbm>>)
      tpu.yield
    }) : () -> ()
    return
  }
}

#map = affine_map<(d0, d1) -> (0, 0)>
#map1 = affine_map<(d0, d1) -> (0, 0, 0)>
#map2 = affine_map<(d0, d1) -> (0, 0, 0, 0)>
module attributes {stable_mosaic.version = 14 : i64} {
  func.func @agg_kernel(%arg0: i32, %arg1: i32, %arg2: memref<10000x128xf32, #tpu.memory_space<hbm>>, %arg3: memref<16x158x128xi32, #tpu.memory_space<hbm>>, %arg4: memref<2x16x158x128xi32, #tpu.memory_space<hbm>>, %arg5: memref<2x5120x128xf32, #tpu.memory_space<hbm>>, %arg6: memref<158x128xi32, #tpu.memory_space<vmem>>, %arg7: memref<158x128xi32, #tpu.memory_space<vmem>>, %arg8: memref<128x128xf32, #tpu.memory_space<vmem>>, %arg9: memref<128x128xf32, #tpu.memory_space<vmem>>, %arg10: memref<128x128xf32, #tpu.memory_space<vmem>>, %arg11: memref<5248x128xf32, #tpu.memory_space<vmem_shared>>, %arg12: memref<!tpu.dma_semaphore, #tpu.memory_space<semaphore_mem>>, %arg13: memref<!tpu.dma_semaphore, #tpu.memory_space<semaphore_mem>>) attributes {dimension_semantics = [#tpu.dimension_semantics<core_parallel>, #tpu.dimension_semantics<subcore_parallel>], iteration_bounds = array<i64: 2, 16>, scalar_prefetch = 0 : i64, scratch_operands = 8 : i64, tpu.core_type = #tpu.core_type<sc_vector_subcore>, window_params = [{transform_indices = #map}, {transform_indices = #map1}, {transform_indices = #map2}, {transform_indices = #map1}]} {
    "tpu.region"() ({
      %run_scoped3A = tpu.sem_alloc : memref<!tpu.dma_semaphore, #tpu.memory_space<semaphore_mem>>
      %dma_start3A = arith.constant 0 : i32
      %dma_start3A_18 = arith.constant 0 : i32
      %dma_start3A_19 = tpu.memref_slice %arg3[%arg1, %dma_start3A, %dma_start3A_18] : memref<16x158x128xi32, #tpu.memory_space<hbm>> -> memref<1x158x128xi32, #tpu.memory_space<hbm>>
      %dma_start3A_20 = tpu.memref_squeeze %dma_start3A_19 : memref<1x158x128xi32, #tpu.memory_space<hbm>> -> memref<158x128xi32, #tpu.memory_space<hbm>>
      %dma_start3A_21 = arith.constant 0 : i32
      %dma_start3A_22 = arith.constant 0 : i32
      %dma_start3A_23 = tpu.memref_slice %arg3[%arg1, %dma_start3A_21, %dma_start3A_22] : memref<16x158x128xi32, #tpu.memory_space<hbm>> -> memref<1x158x128xi32, #tpu.memory_space<hbm>>
      %dma_start3A_24 = tpu.memref_squeeze %dma_start3A_23 : memref<1x158x128xi32, #tpu.memory_space<hbm>> -> memref<158x128xi32, #tpu.memory_space<hbm>>
      tpu.enqueue_dma source(%dma_start3A_24 : memref<158x128xi32, #tpu.memory_space<hbm>>) target(%arg6 : memref<158x128xi32, #tpu.memory_space<vmem>>) target_semaphore(%run_scoped3A : memref<!tpu.dma_semaphore, #tpu.memory_space<semaphore_mem>>)
      %dma_wait3A = arith.constant 0 : i32
      %dma_wait3A_25 = arith.constant 0 : i32
      %dma_wait3A_26 = tpu.memref_slice %arg3[%arg1, %dma_wait3A, %dma_wait3A_25] : memref<16x158x128xi32, #tpu.memory_space<hbm>> -> memref<1x158x128xi32, #tpu.memory_space<hbm>>
      %dma_wait3A_27 = tpu.memref_squeeze %dma_wait3A_26 : memref<1x158x128xi32, #tpu.memory_space<hbm>> -> memref<158x128xi32, #tpu.memory_space<hbm>>
      %dma_wait3A_28 = arith.constant 0 : i32
      %dma_wait3A_29 = arith.constant 0 : i32
      %dma_wait3A_30 = tpu.memref_slice %arg3[%arg1, %dma_wait3A_28, %dma_wait3A_29] : memref<16x158x128xi32, #tpu.memory_space<hbm>> -> memref<1x158x128xi32, #tpu.memory_space<hbm>>
      %dma_wait3A_31 = tpu.memref_squeeze %dma_wait3A_30 : memref<1x158x128xi32, #tpu.memory_space<hbm>> -> memref<158x128xi32, #tpu.memory_space<hbm>>
      tpu.wait_dma2 semaphore(%run_scoped3A : memref<!tpu.dma_semaphore, #tpu.memory_space<semaphore_mem>>) src(%dma_wait3A_31 : memref<158x128xi32, #tpu.memory_space<hbm>>) dst(%arg6 : memref<158x128xi32, #tpu.memory_space<vmem>>)
      tpu.yield
    }) : () -> ()
    "tpu.region"() ({
      %run_scoped3A = tpu.sem_alloc : memref<!tpu.dma_semaphore, #tpu.memory_space<semaphore_mem>>
      %dma_start3A = arith.constant 0 : i32
      %dma_start3A_18 = arith.constant 0 : i32
      %dma_start3A_19 = tpu.memref_slice %arg4[%arg0, %arg1, %dma_start3A, %dma_start3A_18] : memref<2x16x158x128xi32, #tpu.memory_space<hbm>> -> memref<1x1x158x128xi32, #tpu.memory_space<hbm>>
      %dma_start3A_20 = tpu.memref_squeeze %dma_start3A_19 : memref<1x1x158x128xi32, #tpu.memory_space<hbm>> -> memref<158x128xi32, #tpu.memory_space<hbm>>
      %dma_start3A_21 = arith.constant 0 : i32
      %dma_start3A_22 = arith.constant 0 : i32
      %dma_start3A_23 = tpu.memref_slice %arg4[%arg0, %arg1, %dma_start3A_21, %dma_start3A_22] : memref<2x16x158x128xi32, #tpu.memory_space<hbm>> -> memref<1x1x158x128xi32, #tpu.memory_space<hbm>>
      %dma_start3A_24 = tpu.memref_squeeze %dma_start3A_23 : memref<1x1x158x128xi32, #tpu.memory_space<hbm>> -> memref<158x128xi32, #tpu.memory_space<hbm>>
      tpu.enqueue_dma source(%dma_start3A_24 : memref<158x128xi32, #tpu.memory_space<hbm>>) target(%arg7 : memref<158x128xi32, #tpu.memory_space<vmem>>) target_semaphore(%run_scoped3A : memref<!tpu.dma_semaphore, #tpu.memory_space<semaphore_mem>>)
      %dma_wait3A = arith.constant 0 : i32
      %dma_wait3A_25 = arith.constant 0 : i32
      %dma_wait3A_26 = tpu.memref_slice %arg4[%arg0, %arg1, %dma_wait3A, %dma_wait3A_25] : memref<2x16x158x128xi32, #tpu.memory_space<hbm>> -> memref<1x1x158x128xi32, #tpu.memory_space<hbm>>
      %dma_wait3A_27 = tpu.memref_squeeze %dma_wait3A_26 : memref<1x1x158x128xi32, #tpu.memory_space<hbm>> -> memref<158x128xi32, #tpu.memory_space<hbm>>
      %dma_wait3A_28 = arith.constant 0 : i32
      %dma_wait3A_29 = arith.constant 0 : i32
      %dma_wait3A_30 = tpu.memref_slice %arg4[%arg0, %arg1, %dma_wait3A_28, %dma_wait3A_29] : memref<2x16x158x128xi32, #tpu.memory_space<hbm>> -> memref<1x1x158x128xi32, #tpu.memory_space<hbm>>
      %dma_wait3A_31 = tpu.memref_squeeze %dma_wait3A_30 : memref<1x1x158x128xi32, #tpu.memory_space<hbm>> -> memref<158x128xi32, #tpu.memory_space<hbm>>
      tpu.wait_dma2 semaphore(%run_scoped3A : memref<!tpu.dma_semaphore, #tpu.memory_space<semaphore_mem>>) src(%dma_wait3A_31 : memref<158x128xi32, #tpu.memory_space<hbm>>) dst(%arg7 : memref<158x128xi32, #tpu.memory_space<vmem>>)
      tpu.yield
    }) : () -> ()
    %scan3A = arith.constant 0 : i32
    %scan3A_0 = arith.constant 128 : i32
    %scan3A_1 = arith.addi %scan3A, %scan3A_0 : i32
    %scan3A_2 = arith.constant 1 : i32
    scf.for %scan3A_18 = %scan3A to %scan3A_1 step %scan3A_2  : i32 {
      %mul3A_19 = arith.constant 1 : i32
      %mul3A_20 = arith.muli %scan3A_18, %mul3A_19 : i32
      %add3A_21 = arith.constant 0 : i32
      %add3A_22 = arith.addi %add3A_21, %mul3A_20 : i32
      %scan3A_23 = arith.constant 0 : i32
      %scan3A_24 = arith.constant 8 : i32
      %scan3A_25 = arith.addi %scan3A_23, %scan3A_24 : i32
      %scan3A_26 = arith.constant 1 : i32
      scf.for %scan3A_28 = %scan3A_23 to %scan3A_25 step %scan3A_26  : i32 {
        %mul3A_29 = arith.constant 1 : i32
        %mul3A_30 = arith.muli %scan3A_28, %mul3A_29 : i32
        %add3A_31 = arith.constant 0 : i32
        %add3A_32 = arith.addi %add3A_31, %mul3A_30 : i32
        %broadcast_in_dim3A = arith.constant 0.000000e+00 : f32
        %broadcast_in_dim3A_33 = vector.broadcast %broadcast_in_dim3A : f32 to vector<16xf32>
        %mul3A_34 = arith.constant 16 : i32
        %mul3A_35 = arith.muli %add3A_32, %mul3A_34 : i32
        %swap3A = arith.index_cast %add3A_22 : i32 to index
        %swap3A_36 = arith.index_cast %mul3A_35 : i32 to index
        %swap3A_37 = tpu.vector_load %arg10[%swap3A, %swap3A_36] {strides = array<i32>} : memref<128x128xf32, #tpu.memory_space<vmem>>, vector<1x16xf32>,
        %swap3A_38 = vector.shape_cast %swap3A_37 : vector<1x16xf32> to vector<16xf32>
        %swap3A_39 = vector.shape_cast %broadcast_in_dim3A_33 : vector<16xf32> to vector<1x16xf32>
        tpu.vector_store %arg10[%swap3A, %swap3A_36], %swap3A_39 {strides = array<i32>} : memref<128x128xf32, #tpu.memory_space<vmem>>, vector<1x16xf32>,
      }
      %scan3A_27 = arith.constant 8 : i32
    }
    %scan3A_3 = arith.constant 128 : i32
    %mul3A = arith.constant 320 : i32
    %mul3A_4 = arith.muli %arg1, %mul3A : i32
    %scan3A_5 = arith.constant 0 : i32
    %scan3A_6 = arith.constant 2 : i32
    %scan3A_7 = arith.addi %scan3A_5, %scan3A_6 : i32
    %scan3A_8 = arith.constant 1 : i32
    scf.for %scan3A_18 = %scan3A_5 to %scan3A_7 step %scan3A_8  : i32 {
      %mul3A_19 = arith.constant 1 : i32
      %mul3A_20 = arith.muli %scan3A_18, %mul3A_19 : i32
      %add3A_21 = arith.constant 0 : i32
      %add3A_22 = arith.addi %add3A_21, %mul3A_20 : i32
      %mul3A_23 = arith.constant 128 : i32
      %mul3A_24 = arith.muli %add3A_22, %mul3A_23 : i32
      %add3A_25 = arith.addi %mul3A_4, %mul3A_24 : i32
      "tpu.region"() ({
        %run_scoped3A = tpu.sem_alloc : memref<!tpu.dma_semaphore, #tpu.memory_space<semaphore_mem>>
        %dma_start3A = arith.constant 0 : i32
        %dma_start3A_26 = tpu.memref_slice %arg11[%add3A_25, %dma_start3A] : memref<5248x128xf32, #tpu.memory_space<vmem_shared>> -> memref<128x128xf32, #tpu.memory_space<vmem_shared>>
        %dma_start3A_27 = arith.constant 0 : i32
        %dma_start3A_28 = tpu.memref_slice %arg11[%add3A_25, %dma_start3A_27] : memref<5248x128xf32, #tpu.memory_space<vmem_shared>> -> memref<128x128xf32, #tpu.memory_space<vmem_shared>>
        tpu.enqueue_dma source(%arg10 : memref<128x128xf32, #tpu.memory_space<vmem>>) target(%dma_start3A_28 : memref<128x128xf32, #tpu.memory_space<vmem_shared>>) target_semaphore(%run_scoped3A : memref<!tpu.dma_semaphore, #tpu.memory_space<semaphore_mem>>)
        %dma_wait3A = arith.constant 0 : i32
        %dma_wait3A_29 = tpu.memref_slice %arg11[%add3A_25, %dma_wait3A] : memref<5248x128xf32, #tpu.memory_space<vmem_shared>> -> memref<128x128xf32, #tpu.memory_space<vmem_shared>>
        %dma_wait3A_30 = arith.constant 0 : i32
        %dma_wait3A_31 = tpu.memref_slice %arg11[%add3A_25, %dma_wait3A_30] : memref<5248x128xf32, #tpu.memory_space<vmem_shared>> -> memref<128x128xf32, #tpu.memory_space<vmem_shared>>
        tpu.wait_dma2 semaphore(%run_scoped3A : memref<!tpu.dma_semaphore, #tpu.memory_space<semaphore_mem>>) src(%arg10 : memref<128x128xf32, #tpu.memory_space<vmem>>) dst(%dma_wait3A_31 : memref<128x128xf32, #tpu.memory_space<vmem_shared>>)
        tpu.yield
      }) : () -> ()
    }
    %scan3A_9 = arith.constant 2 : i32
    %add3A = arith.constant 320 : i32
    %add3A_10 = arith.addi %mul3A_4, %add3A : i32
    %sub3A = arith.constant 64 : i32
    %sub3A_11 = arith.subi %add3A_10, %sub3A : i32
    "tpu.region"() ({
      %run_scoped3A = tpu.sem_alloc : memref<!tpu.dma_semaphore, #tpu.memory_space<semaphore_mem>>
      %dma_start3A = arith.constant 0 : i32
      %dma_start3A_18 = arith.constant 0 : i32
      %dma_start3A_19 = tpu.memref_slice %arg10[%dma_start3A, %dma_start3A_18] : memref<128x128xf32, #tpu.memory_space<vmem>> -> memref<64x128xf32, #tpu.memory_space<vmem>>
      %dma_start3A_20 = arith.constant 0 : i32
      %dma_start3A_21 = tpu.memref_slice %arg11[%sub3A_11, %dma_start3A_20] : memref<5248x128xf32, #tpu.memory_space<vmem_shared>> -> memref<64x128xf32, #tpu.memory_space<vmem_shared>>
      %dma_start3A_22 = arith.constant 0 : i32
      %dma_start3A_23 = tpu.memref_slice %arg11[%sub3A_11, %dma_start3A_22] : memref<5248x128xf32, #tpu.memory_space<vmem_shared>> -> memref<64x128xf32, #tpu.memory_space<vmem_shared>>
      %dma_start3A_24 = arith.constant 0 : i32
      %dma_start3A_25 = arith.constant 0 : i32
      %dma_start3A_26 = tpu.memref_slice %arg10[%dma_start3A_24, %dma_start3A_25] : memref<128x128xf32, #tpu.memory_space<vmem>> -> memref<64x128xf32, #tpu.memory_space<vmem>>
      tpu.enqueue_dma source(%dma_start3A_26 : memref<64x128xf32, #tpu.memory_space<vmem>>) target(%dma_start3A_23 : memref<64x128xf32, #tpu.memory_space<vmem_shared>>) target_semaphore(%run_scoped3A : memref<!tpu.dma_semaphore, #tpu.memory_space<semaphore_mem>>)
      %dma_wait3A = arith.constant 0 : i32
      %dma_wait3A_27 = arith.constant 0 : i32
      %dma_wait3A_28 = tpu.memref_slice %arg10[%dma_wait3A, %dma_wait3A_27] : memref<128x128xf32, #tpu.memory_space<vmem>> -> memref<64x128xf32, #tpu.memory_space<vmem>>
      %dma_wait3A_29 = arith.constant 0 : i32
      %dma_wait3A_30 = tpu.memref_slice %arg11[%sub3A_11, %dma_wait3A_29] : memref<5248x128xf32, #tpu.memory_space<vmem_shared>> -> memref<64x128xf32, #tpu.memory_space<vmem_shared>>
      %dma_wait3A_31 = arith.constant 0 : i32
      %dma_wait3A_32 = tpu.memref_slice %arg11[%sub3A_11, %dma_wait3A_31] : memref<5248x128xf32, #tpu.memory_space<vmem_shared>> -> memref<64x128xf32, #tpu.memory_space<vmem_shared>>
      %dma_wait3A_33 = arith.constant 0 : i32
      %dma_wait3A_34 = arith.constant 0 : i32
      %dma_wait3A_35 = tpu.memref_slice %arg10[%dma_wait3A_33, %dma_wait3A_34] : memref<128x128xf32, #tpu.memory_space<vmem>> -> memref<64x128xf32, #tpu.memory_space<vmem>>
      tpu.wait_dma2 semaphore(%run_scoped3A : memref<!tpu.dma_semaphore, #tpu.memory_space<semaphore_mem>>) src(%dma_wait3A_35 : memref<64x128xf32, #tpu.memory_space<vmem>>) dst(%dma_wait3A_32 : memref<64x128xf32, #tpu.memory_space<vmem_shared>>)
      tpu.yield
    }) : () -> ()
    %barrier3A = arith.constant 0 : index
    tpu.barrier barrier_id(%barrier3A)
    %scan3A_12 = arith.constant 0 : i32
    %scan3A_13 = arith.constant 158 : i32
    %scan3A_14 = arith.addi %scan3A_12, %scan3A_13 : i32
    %scan3A_15 = arith.constant 1 : i32
    scf.for %scan3A_18 = %scan3A_12 to %scan3A_14 step %scan3A_15  : i32 {
      %mul3A_19 = arith.constant 1 : i32
      %mul3A_20 = arith.muli %scan3A_18, %mul3A_19 : i32
      %add3A_21 = arith.constant 0 : i32
      %add3A_22 = arith.addi %add3A_21, %mul3A_20 : i32
      %dma_start3A = arith.constant 0 : i32
      %dma_start3A_23 = tpu.memref_slice %arg6[%add3A_22, %dma_start3A] : memref<158x128xi32, #tpu.memory_space<vmem>> -> memref<1x128xi32, #tpu.memory_space<vmem>>
      %dma_start3A_24 = tpu.memref_squeeze %dma_start3A_23 : memref<1x128xi32, #tpu.memory_space<vmem>> -> memref<128xi32, #tpu.memory_space<vmem>>
      %dma_start3A_25 = arith.constant 0 : i32
      %dma_start3A_26 = arith.constant 0 : i32
      %dma_start3A_27 = tpu.memref_slice %arg2[%dma_start3A_25, %dma_start3A_26] : memref<10000x128xf32, #tpu.memory_space<hbm>> -> memref<10000x128xf32, #tpu.memory_space<hbm>>
      tpu.enqueue_indirect_dma source(%dma_start3A_27 : memref<10000x128xf32, #tpu.memory_space<hbm>>) target(%arg8 : memref<128x128xf32, #tpu.memory_space<vmem>>) offsets(%dma_start3A_24 : memref<128xi32, #tpu.memory_space<vmem>>) semaphore(%arg12 : memref<!tpu.dma_semaphore, #tpu.memory_space<semaphore_mem>>)
      %dma_wait3A = arith.constant 0 : i32
      %dma_wait3A_28 = tpu.memref_slice %arg6[%add3A_22, %dma_wait3A] : memref<158x128xi32, #tpu.memory_space<vmem>> -> memref<1x128xi32, #tpu.memory_space<vmem>>
      %dma_wait3A_29 = tpu.memref_squeeze %dma_wait3A_28 : memref<1x128xi32, #tpu.memory_space<vmem>> -> memref<128xi32, #tpu.memory_space<vmem>>
      %dma_wait3A_30 = arith.constant 0 : i32
      %dma_wait3A_31 = arith.constant 0 : i32
      %dma_wait3A_32 = tpu.memref_slice %arg2[%dma_wait3A_30, %dma_wait3A_31] : memref<10000x128xf32, #tpu.memory_space<hbm>> -> memref<10000x128xf32, #tpu.memory_space<hbm>>
      tpu.wait_indirect_dma semaphore(%arg12 : memref<!tpu.dma_semaphore, #tpu.memory_space<semaphore_mem>>) src(%dma_wait3A_32 : memref<10000x128xf32, #tpu.memory_space<hbm>>) dst(%arg8 : memref<128x128xf32, #tpu.memory_space<vmem>>)
      "tpu.region"() ({
        %run_scoped3A = tpu.sem_alloc : memref<!tpu.dma_semaphore, #tpu.memory_space<semaphore_mem>>
        %dma_start3A_33 = arith.constant 0 : i32
        %dma_start3A_34 = tpu.memref_slice %arg7[%add3A_22, %dma_start3A_33] : memref<158x128xi32, #tpu.memory_space<vmem>> -> memref<1x128xi32, #tpu.memory_space<vmem>>
        %dma_start3A_35 = tpu.memref_squeeze %dma_start3A_34 : memref<1x128xi32, #tpu.memory_space<vmem>> -> memref<128xi32, #tpu.memory_space<vmem>>
        %dma_start3A_36 = arith.constant 0 : i32
        %dma_start3A_37 = arith.constant 0 : i32
        %dma_start3A_38 = tpu.memref_slice %arg11[%dma_start3A_36, %dma_start3A_37] : memref<5248x128xf32, #tpu.memory_space<vmem_shared>> -> memref<5248x128xf32, #tpu.memory_space<vmem_shared>>
        tpu.enqueue_indirect_dma source(%arg8 : memref<128x128xf32, #tpu.memory_space<vmem>>) target(%dma_start3A_38 : memref<5248x128xf32, #tpu.memory_space<vmem_shared>>) offsets(%dma_start3A_35 : memref<128xi32, #tpu.memory_space<vmem>>) semaphore(%run_scoped3A : memref<!tpu.dma_semaphore, #tpu.memory_space<semaphore_mem>>) {add = true}
        %dma_wait3A_39 = arith.constant 0 : i32
        %dma_wait3A_40 = tpu.memref_slice %arg7[%add3A_22, %dma_wait3A_39] : memref<158x128xi32, #tpu.memory_space<vmem>> -> memref<1x128xi32, #tpu.memory_space<vmem>>
        %dma_wait3A_41 = tpu.memref_squeeze %dma_wait3A_40 : memref<1x128xi32, #tpu.memory_space<vmem>> -> memref<128xi32, #tpu.memory_space<vmem>>
        %dma_wait3A_42 = arith.constant 0 : i32
        %dma_wait3A_43 = arith.constant 0 : i32
        %dma_wait3A_44 = tpu.memref_slice %arg11[%dma_wait3A_42, %dma_wait3A_43] : memref<5248x128xf32, #tpu.memory_space<vmem_shared>> -> memref<5248x128xf32, #tpu.memory_space<vmem_shared>>
        tpu.wait_indirect_dma semaphore(%run_scoped3A : memref<!tpu.dma_semaphore, #tpu.memory_space<semaphore_mem>>) src(%arg8 : memref<128x128xf32, #tpu.memory_space<vmem>>) dst(%dma_wait3A_44 : memref<5248x128xf32, #tpu.memory_space<vmem_shared>>)
        tpu.yield
      }) : () -> ()
    }
    %scan3A_16 = arith.constant 158 : i32
    %barrier3A_17 = arith.constant 0 : index
    tpu.barrier barrier_id(%barrier3A_17)
    "tpu.region"() ({
      %run_scoped3A = tpu.sem_alloc : memref<!tpu.dma_semaphore, #tpu.memory_space<semaphore_mem>>
      %dma_start3A = arith.constant 0 : i32
      %dma_start3A_18 = tpu.memref_slice %arg5[%arg0, %mul3A_4, %dma_start3A] : memref<2x5120x128xf32, #tpu.memory_space<hbm>> -> memref<1x320x128xf32, #tpu.memory_space<hbm>>
      %dma_start3A_19 = tpu.memref_squeeze %dma_start3A_18 : memref<1x320x128xf32, #tpu.memory_space<hbm>> -> memref<320x128xf32, #tpu.memory_space<hbm>>
      %dma_start3A_20 = arith.constant 0 : i32
      %dma_start3A_21 = tpu.memref_slice %arg11[%mul3A_4, %dma_start3A_20] : memref<5248x128xf32, #tpu.memory_space<vmem_shared>> -> memref<320x128xf32, #tpu.memory_space<vmem_shared>>
      tpu.enqueue_dma source(%dma_start3A_21 : memref<320x128xf32, #tpu.memory_space<vmem_shared>>) target(%dma_start3A_19 : memref<320x128xf32, #tpu.memory_space<hbm>>) target_semaphore(%run_scoped3A : memref<!tpu.dma_semaphore, #tpu.memory_space<semaphore_mem>>)
      %dma_wait3A = arith.constant 0 : i32
      %dma_wait3A_22 = tpu.memref_slice %arg5[%arg0, %mul3A_4, %dma_wait3A] : memref<2x5120x128xf32, #tpu.memory_space<hbm>> -> memref<1x320x128xf32, #tpu.memory_space<hbm>>
      %dma_wait3A_23 = tpu.memref_squeeze %dma_wait3A_22 : memref<1x320x128xf32, #tpu.memory_space<hbm>> -> memref<320x128xf32, #tpu.memory_space<hbm>>
      %dma_wait3A_24 = arith.constant 0 : i32
      %dma_wait3A_25 = tpu.memref_slice %arg11[%mul3A_4, %dma_wait3A_24] : memref<5248x128xf32, #tpu.memory_space<vmem_shared>> -> memref<320x128xf32, #tpu.memory_space<vmem_shared>>
      tpu.wait_dma2 semaphore(%run_scoped3A : memref<!tpu.dma_semaphore, #tpu.memory_space<semaphore_mem>>) src(%dma_wait3A_25 : memref<320x128xf32, #tpu.memory_space<vmem_shared>>) dst(%dma_wait3A_23 : memref<320x128xf32, #tpu.memory_space<hbm>>)
      tpu.yield
    }) : () -> ()
    return
  }
}

#map = affine_map<(d0, d1) -> (0, 0)>
#map1 = affine_map<(d0, d1) -> (0, 0, 0)>
#map2 = affine_map<(d0, d1) -> (0, 0, 0, 0)>
module attributes {stable_mosaic.version = 14 : i64} {
  func.func @agg_kernel(%arg0: i32, %arg1: i32, %arg2: memref<10000x128xf32, #tpu.memory_space<hbm>>, %arg3: memref<16x158x128xi32, #tpu.memory_space<hbm>>, %arg4: memref<2x16x158x128xi32, #tpu.memory_space<hbm>>, %arg5: memref<2x5120x128xf32, #tpu.memory_space<hbm>>, %arg6: memref<158x128xi32, #tpu.memory_space<vmem>>, %arg7: memref<158x128xi32, #tpu.memory_space<vmem>>, %arg8: memref<128x128xf32, #tpu.memory_space<vmem>>, %arg9: memref<128x128xf32, #tpu.memory_space<vmem>>, %arg10: memref<128x128xf32, #tpu.memory_space<vmem>>, %arg11: memref<5248x128xf32, #tpu.memory_space<vmem_shared>>, %arg12: memref<!tpu.dma_semaphore, #tpu.memory_space<semaphore_mem>>, %arg13: memref<!tpu.dma_semaphore, #tpu.memory_space<semaphore_mem>>) attributes {dimension_semantics = [#tpu.dimension_semantics<core_parallel>, #tpu.dimension_semantics<subcore_parallel>], iteration_bounds = array<i64: 2, 16>, scalar_prefetch = 0 : i64, scratch_operands = 8 : i64, tpu.core_type = #tpu.core_type<sc_vector_subcore>, window_params = [{transform_indices = #map}, {transform_indices = #map1}, {transform_indices = #map2}, {transform_indices = #map1}]} {
    "tpu.region"() ({
      %run_scoped3A = tpu.sem_alloc : memref<!tpu.dma_semaphore, #tpu.memory_space<semaphore_mem>>
      %dma_start3A = arith.constant 0 : i32
      %dma_start3A_18 = arith.constant 0 : i32
      %dma_start3A_19 = tpu.memref_slice %arg3[%arg1, %dma_start3A, %dma_start3A_18] : memref<16x158x128xi32, #tpu.memory_space<hbm>> -> memref<1x158x128xi32, #tpu.memory_space<hbm>>
      %dma_start3A_20 = tpu.memref_squeeze %dma_start3A_19 : memref<1x158x128xi32, #tpu.memory_space<hbm>> -> memref<158x128xi32, #tpu.memory_space<hbm>>
      %dma_start3A_21 = arith.constant 0 : i32
      %dma_start3A_22 = arith.constant 0 : i32
      %dma_start3A_23 = tpu.memref_slice %arg3[%arg1, %dma_start3A_21, %dma_start3A_22] : memref<16x158x128xi32, #tpu.memory_space<hbm>> -> memref<1x158x128xi32, #tpu.memory_space<hbm>>
      %dma_start3A_24 = tpu.memref_squeeze %dma_start3A_23 : memref<1x158x128xi32, #tpu.memory_space<hbm>> -> memref<158x128xi32, #tpu.memory_space<hbm>>
      tpu.enqueue_dma source(%dma_start3A_24 : memref<158x128xi32, #tpu.memory_space<hbm>>) target(%arg6 : memref<158x128xi32, #tpu.memory_space<vmem>>) target_semaphore(%run_scoped3A : memref<!tpu.dma_semaphore, #tpu.memory_space<semaphore_mem>>)
      %dma_wait3A = arith.constant 0 : i32
      %dma_wait3A_25 = arith.constant 0 : i32
      %dma_wait3A_26 = tpu.memref_slice %arg3[%arg1, %dma_wait3A, %dma_wait3A_25] : memref<16x158x128xi32, #tpu.memory_space<hbm>> -> memref<1x158x128xi32, #tpu.memory_space<hbm>>
      %dma_wait3A_27 = tpu.memref_squeeze %dma_wait3A_26 : memref<1x158x128xi32, #tpu.memory_space<hbm>> -> memref<158x128xi32, #tpu.memory_space<hbm>>
      %dma_wait3A_28 = arith.constant 0 : i32
      %dma_wait3A_29 = arith.constant 0 : i32
      %dma_wait3A_30 = tpu.memref_slice %arg3[%arg1, %dma_wait3A_28, %dma_wait3A_29] : memref<16x158x128xi32, #tpu.memory_space<hbm>> -> memref<1x158x128xi32, #tpu.memory_space<hbm>>
      %dma_wait3A_31 = tpu.memref_squeeze %dma_wait3A_30 : memref<1x158x128xi32, #tpu.memory_space<hbm>> -> memref<158x128xi32, #tpu.memory_space<hbm>>
      tpu.wait_dma2 semaphore(%run_scoped3A : memref<!tpu.dma_semaphore, #tpu.memory_space<semaphore_mem>>) src(%dma_wait3A_31 : memref<158x128xi32, #tpu.memory_space<hbm>>) dst(%arg6 : memref<158x128xi32, #tpu.memory_space<vmem>>)
      tpu.yield
    }) : () -> ()
    "tpu.region"() ({
      %run_scoped3A = tpu.sem_alloc : memref<!tpu.dma_semaphore, #tpu.memory_space<semaphore_mem>>
      %dma_start3A = arith.constant 0 : i32
      %dma_start3A_18 = arith.constant 0 : i32
      %dma_start3A_19 = tpu.memref_slice %arg4[%arg0, %arg1, %dma_start3A, %dma_start3A_18] : memref<2x16x158x128xi32, #tpu.memory_space<hbm>> -> memref<1x1x158x128xi32, #tpu.memory_space<hbm>>
      %dma_start3A_20 = tpu.memref_squeeze %dma_start3A_19 : memref<1x1x158x128xi32, #tpu.memory_space<hbm>> -> memref<158x128xi32, #tpu.memory_space<hbm>>
      %dma_start3A_21 = arith.constant 0 : i32
      %dma_start3A_22 = arith.constant 0 : i32
      %dma_start3A_23 = tpu.memref_slice %arg4[%arg0, %arg1, %dma_start3A_21, %dma_start3A_22] : memref<2x16x158x128xi32, #tpu.memory_space<hbm>> -> memref<1x1x158x128xi32, #tpu.memory_space<hbm>>
      %dma_start3A_24 = tpu.memref_squeeze %dma_start3A_23 : memref<1x1x158x128xi32, #tpu.memory_space<hbm>> -> memref<158x128xi32, #tpu.memory_space<hbm>>
      tpu.enqueue_dma source(%dma_start3A_24 : memref<158x128xi32, #tpu.memory_space<hbm>>) target(%arg7 : memref<158x128xi32, #tpu.memory_space<vmem>>) target_semaphore(%run_scoped3A : memref<!tpu.dma_semaphore, #tpu.memory_space<semaphore_mem>>)
      %dma_wait3A = arith.constant 0 : i32
      %dma_wait3A_25 = arith.constant 0 : i32
      %dma_wait3A_26 = tpu.memref_slice %arg4[%arg0, %arg1, %dma_wait3A, %dma_wait3A_25] : memref<2x16x158x128xi32, #tpu.memory_space<hbm>> -> memref<1x1x158x128xi32, #tpu.memory_space<hbm>>
      %dma_wait3A_27 = tpu.memref_squeeze %dma_wait3A_26 : memref<1x1x158x128xi32, #tpu.memory_space<hbm>> -> memref<158x128xi32, #tpu.memory_space<hbm>>
      %dma_wait3A_28 = arith.constant 0 : i32
      %dma_wait3A_29 = arith.constant 0 : i32
      %dma_wait3A_30 = tpu.memref_slice %arg4[%arg0, %arg1, %dma_wait3A_28, %dma_wait3A_29] : memref<2x16x158x128xi32, #tpu.memory_space<hbm>> -> memref<1x1x158x128xi32, #tpu.memory_space<hbm>>
      %dma_wait3A_31 = tpu.memref_squeeze %dma_wait3A_30 : memref<1x1x158x128xi32, #tpu.memory_space<hbm>> -> memref<158x128xi32, #tpu.memory_space<hbm>>
      tpu.wait_dma2 semaphore(%run_scoped3A : memref<!tpu.dma_semaphore, #tpu.memory_space<semaphore_mem>>) src(%dma_wait3A_31 : memref<158x128xi32, #tpu.memory_space<hbm>>) dst(%arg7 : memref<158x128xi32, #tpu.memory_space<vmem>>)
      tpu.yield
    }) : () -> ()
    %scan3A = arith.constant 0 : i32
    %scan3A_0 = arith.constant 128 : i32
    %scan3A_1 = arith.addi %scan3A, %scan3A_0 : i32
    %scan3A_2 = arith.constant 1 : i32
    scf.for %scan3A_18 = %scan3A to %scan3A_1 step %scan3A_2  : i32 {
      %mul3A_19 = arith.constant 1 : i32
      %mul3A_20 = arith.muli %scan3A_18, %mul3A_19 : i32
      %add3A_21 = arith.constant 0 : i32
      %add3A_22 = arith.addi %add3A_21, %mul3A_20 : i32
      %scan3A_23 = arith.constant 0 : i32
      %scan3A_24 = arith.constant 8 : i32
      %scan3A_25 = arith.addi %scan3A_23, %scan3A_24 : i32
      %scan3A_26 = arith.constant 1 : i32
      scf.for %scan3A_28 = %scan3A_23 to %scan3A_25 step %scan3A_26  : i32 {
        %mul3A_29 = arith.constant 1 : i32
        %mul3A_30 = arith.muli %scan3A_28, %mul3A_29 : i32
        %add3A_31 = arith.constant 0 : i32
        %add3A_32 = arith.addi %add3A_31, %mul3A_30 : i32
        %broadcast_in_dim3A = arith.constant 0.000000e+00 : f32
        %broadcast_in_dim3A_33 = vector.broadcast %broadcast_in_dim3A : f32 to vector<16xf32>
        %mul3A_34 = arith.constant 16 : i32
        %mul3A_35 = arith.muli %add3A_32, %mul3A_34 : i32
        %swap3A = arith.index_cast %add3A_22 : i32 to index
        %swap3A_36 = arith.index_cast %mul3A_35 : i32 to index
        %swap3A_37 = tpu.vector_load %arg10[%swap3A, %swap3A_36] {strides = array<i32>} : memref<128x128xf32, #tpu.memory_space<vmem>>, vector<1x16xf32>,
        %swap3A_38 = vector.shape_cast %swap3A_37 : vector<1x16xf32> to vector<16xf32>
        %swap3A_39 = vector.shape_cast %broadcast_in_dim3A_33 : vector<16xf32> to vector<1x16xf32>
        tpu.vector_store %arg10[%swap3A, %swap3A_36], %swap3A_39 {strides = array<i32>} : memref<128x128xf32, #tpu.memory_space<vmem>>, vector<1x16xf32>,
      }
      %scan3A_27 = arith.constant 8 : i32
    }
    %scan3A_3 = arith.constant 128 : i32
    %mul3A = arith.constant 320 : i32
    %mul3A_4 = arith.muli %arg1, %mul3A : i32
    %scan3A_5 = arith.constant 0 : i32
    %scan3A_6 = arith.constant 2 : i32
    %scan3A_7 = arith.addi %scan3A_5, %scan3A_6 : i32
    %scan3A_8 = arith.constant 1 : i32
    scf.for %scan3A_18 = %scan3A_5 to %scan3A_7 step %scan3A_8  : i32 {
      %mul3A_19 = arith.constant 1 : i32
      %mul3A_20 = arith.muli %scan3A_18, %mul3A_19 : i32
      %add3A_21 = arith.constant 0 : i32
      %add3A_22 = arith.addi %add3A_21, %mul3A_20 : i32
      %mul3A_23 = arith.constant 128 : i32
      %mul3A_24 = arith.muli %add3A_22, %mul3A_23 : i32
      %add3A_25 = arith.addi %mul3A_4, %mul3A_24 : i32
      "tpu.region"() ({
        %run_scoped3A = tpu.sem_alloc : memref<!tpu.dma_semaphore, #tpu.memory_space<semaphore_mem>>
        %dma_start3A = arith.constant 0 : i32
        %dma_start3A_26 = tpu.memref_slice %arg11[%add3A_25, %dma_start3A] : memref<5248x128xf32, #tpu.memory_space<vmem_shared>> -> memref<128x128xf32, #tpu.memory_space<vmem_shared>>
        %dma_start3A_27 = arith.constant 0 : i32
        %dma_start3A_28 = tpu.memref_slice %arg11[%add3A_25, %dma_start3A_27] : memref<5248x128xf32, #tpu.memory_space<vmem_shared>> -> memref<128x128xf32, #tpu.memory_space<vmem_shared>>
        tpu.enqueue_dma source(%arg10 : memref<128x128xf32, #tpu.memory_space<vmem>>) target(%dma_start3A_28 : memref<128x128xf32, #tpu.memory_space<vmem_shared>>) target_semaphore(%run_scoped3A : memref<!tpu.dma_semaphore, #tpu.memory_space<semaphore_mem>>)
        %dma_wait3A = arith.constant 0 : i32
        %dma_wait3A_29 = tpu.memref_slice %arg11[%add3A_25, %dma_wait3A] : memref<5248x128xf32, #tpu.memory_space<vmem_shared>> -> memref<128x128xf32, #tpu.memory_space<vmem_shared>>
        %dma_wait3A_30 = arith.constant 0 : i32
        %dma_wait3A_31 = tpu.memref_slice %arg11[%add3A_25, %dma_wait3A_30] : memref<5248x128xf32, #tpu.memory_space<vmem_shared>> -> memref<128x128xf32, #tpu.memory_space<vmem_shared>>
        tpu.wait_dma2 semaphore(%run_scoped3A : memref<!tpu.dma_semaphore, #tpu.memory_space<semaphore_mem>>) src(%arg10 : memref<128x128xf32, #tpu.memory_space<vmem>>) dst(%dma_wait3A_31 : memref<128x128xf32, #tpu.memory_space<vmem_shared>>)
        tpu.yield
      }) : () -> ()
    }
    %scan3A_9 = arith.constant 2 : i32
    %add3A = arith.constant 320 : i32
    %add3A_10 = arith.addi %mul3A_4, %add3A : i32
    %sub3A = arith.constant 64 : i32
    %sub3A_11 = arith.subi %add3A_10, %sub3A : i32
    "tpu.region"() ({
      %run_scoped3A = tpu.sem_alloc : memref<!tpu.dma_semaphore, #tpu.memory_space<semaphore_mem>>
      %dma_start3A = arith.constant 0 : i32
      %dma_start3A_18 = arith.constant 0 : i32
      %dma_start3A_19 = tpu.memref_slice %arg10[%dma_start3A, %dma_start3A_18] : memref<128x128xf32, #tpu.memory_space<vmem>> -> memref<64x128xf32, #tpu.memory_space<vmem>>
      %dma_start3A_20 = arith.constant 0 : i32
      %dma_start3A_21 = tpu.memref_slice %arg11[%sub3A_11, %dma_start3A_20] : memref<5248x128xf32, #tpu.memory_space<vmem_shared>> -> memref<64x128xf32, #tpu.memory_space<vmem_shared>>
      %dma_start3A_22 = arith.constant 0 : i32
      %dma_start3A_23 = tpu.memref_slice %arg11[%sub3A_11, %dma_start3A_22] : memref<5248x128xf32, #tpu.memory_space<vmem_shared>> -> memref<64x128xf32, #tpu.memory_space<vmem_shared>>
      %dma_start3A_24 = arith.constant 0 : i32
      %dma_start3A_25 = arith.constant 0 : i32
      %dma_start3A_26 = tpu.memref_slice %arg10[%dma_start3A_24, %dma_start3A_25] : memref<128x128xf32, #tpu.memory_space<vmem>> -> memref<64x128xf32, #tpu.memory_space<vmem>>
      tpu.enqueue_dma source(%dma_start3A_26 : memref<64x128xf32, #tpu.memory_space<vmem>>) target(%dma_start3A_23 : memref<64x128xf32, #tpu.memory_space<vmem_shared>>) target_semaphore(%run_scoped3A : memref<!tpu.dma_semaphore, #tpu.memory_space<semaphore_mem>>)
      %dma_wait3A = arith.constant 0 : i32
      %dma_wait3A_27 = arith.constant 0 : i32
      %dma_wait3A_28 = tpu.memref_slice %arg10[%dma_wait3A, %dma_wait3A_27] : memref<128x128xf32, #tpu.memory_space<vmem>> -> memref<64x128xf32, #tpu.memory_space<vmem>>
      %dma_wait3A_29 = arith.constant 0 : i32
      %dma_wait3A_30 = tpu.memref_slice %arg11[%sub3A_11, %dma_wait3A_29] : memref<5248x128xf32, #tpu.memory_space<vmem_shared>> -> memref<64x128xf32, #tpu.memory_space<vmem_shared>>
      %dma_wait3A_31 = arith.constant 0 : i32
      %dma_wait3A_32 = tpu.memref_slice %arg11[%sub3A_11, %dma_wait3A_31] : memref<5248x128xf32, #tpu.memory_space<vmem_shared>> -> memref<64x128xf32, #tpu.memory_space<vmem_shared>>
      %dma_wait3A_33 = arith.constant 0 : i32
      %dma_wait3A_34 = arith.constant 0 : i32
      %dma_wait3A_35 = tpu.memref_slice %arg10[%dma_wait3A_33, %dma_wait3A_34] : memref<128x128xf32, #tpu.memory_space<vmem>> -> memref<64x128xf32, #tpu.memory_space<vmem>>
      tpu.wait_dma2 semaphore(%run_scoped3A : memref<!tpu.dma_semaphore, #tpu.memory_space<semaphore_mem>>) src(%dma_wait3A_35 : memref<64x128xf32, #tpu.memory_space<vmem>>) dst(%dma_wait3A_32 : memref<64x128xf32, #tpu.memory_space<vmem_shared>>)
      tpu.yield
    }) : () -> ()
    %barrier3A = arith.constant 0 : index
    tpu.barrier barrier_id(%barrier3A)
    %scan3A_12 = arith.constant 0 : i32
    %scan3A_13 = arith.constant 158 : i32
    %scan3A_14 = arith.addi %scan3A_12, %scan3A_13 : i32
    %scan3A_15 = arith.constant 1 : i32
    scf.for %scan3A_18 = %scan3A_12 to %scan3A_14 step %scan3A_15  : i32 {
      %mul3A_19 = arith.constant 1 : i32
      %mul3A_20 = arith.muli %scan3A_18, %mul3A_19 : i32
      %add3A_21 = arith.constant 0 : i32
      %add3A_22 = arith.addi %add3A_21, %mul3A_20 : i32
      %dma_start3A = arith.constant 0 : i32
      %dma_start3A_23 = tpu.memref_slice %arg6[%add3A_22, %dma_start3A] : memref<158x128xi32, #tpu.memory_space<vmem>> -> memref<1x128xi32, #tpu.memory_space<vmem>>
      %dma_start3A_24 = tpu.memref_squeeze %dma_start3A_23 : memref<1x128xi32, #tpu.memory_space<vmem>> -> memref<128xi32, #tpu.memory_space<vmem>>
      %dma_start3A_25 = arith.constant 0 : i32
      %dma_start3A_26 = arith.constant 0 : i32
      %dma_start3A_27 = tpu.memref_slice %arg2[%dma_start3A_25, %dma_start3A_26] : memref<10000x128xf32, #tpu.memory_space<hbm>> -> memref<10000x128xf32, #tpu.memory_space<hbm>>
      tpu.enqueue_indirect_dma source(%dma_start3A_27 : memref<10000x128xf32, #tpu.memory_space<hbm>>) target(%arg8 : memref<128x128xf32, #tpu.memory_space<vmem>>) offsets(%dma_start3A_24 : memref<128xi32, #tpu.memory_space<vmem>>) semaphore(%arg12 : memref<!tpu.dma_semaphore, #tpu.memory_space<semaphore_mem>>)
      %dma_wait3A = arith.constant 0 : i32
      %dma_wait3A_28 = tpu.memref_slice %arg6[%add3A_22, %dma_wait3A] : memref<158x128xi32, #tpu.memory_space<vmem>> -> memref<1x128xi32, #tpu.memory_space<vmem>>
      %dma_wait3A_29 = tpu.memref_squeeze %dma_wait3A_28 : memref<1x128xi32, #tpu.memory_space<vmem>> -> memref<128xi32, #tpu.memory_space<vmem>>
      %dma_wait3A_30 = arith.constant 0 : i32
      %dma_wait3A_31 = arith.constant 0 : i32
      %dma_wait3A_32 = tpu.memref_slice %arg2[%dma_wait3A_30, %dma_wait3A_31] : memref<10000x128xf32, #tpu.memory_space<hbm>> -> memref<10000x128xf32, #tpu.memory_space<hbm>>
      tpu.wait_indirect_dma semaphore(%arg12 : memref<!tpu.dma_semaphore, #tpu.memory_space<semaphore_mem>>) src(%dma_wait3A_32 : memref<10000x128xf32, #tpu.memory_space<hbm>>) dst(%arg8 : memref<128x128xf32, #tpu.memory_space<vmem>>)
      "tpu.region"() ({
        %run_scoped3A = tpu.sem_alloc : memref<!tpu.dma_semaphore, #tpu.memory_space<semaphore_mem>>
        %dma_start3A_33 = arith.constant 0 : i32
        %dma_start3A_34 = tpu.memref_slice %arg7[%add3A_22, %dma_start3A_33] : memref<158x128xi32, #tpu.memory_space<vmem>> -> memref<1x128xi32, #tpu.memory_space<vmem>>
        %dma_start3A_35 = tpu.memref_squeeze %dma_start3A_34 : memref<1x128xi32, #tpu.memory_space<vmem>> -> memref<128xi32, #tpu.memory_space<vmem>>
        %dma_start3A_36 = arith.constant 0 : i32
        %dma_start3A_37 = arith.constant 0 : i32
        %dma_start3A_38 = tpu.memref_slice %arg11[%dma_start3A_36, %dma_start3A_37] : memref<5248x128xf32, #tpu.memory_space<vmem_shared>> -> memref<5248x128xf32, #tpu.memory_space<vmem_shared>>
        tpu.enqueue_indirect_dma source(%arg8 : memref<128x128xf32, #tpu.memory_space<vmem>>) target(%dma_start3A_38 : memref<5248x128xf32, #tpu.memory_space<vmem_shared>>) offsets(%dma_start3A_35 : memref<128xi32, #tpu.memory_space<vmem>>) semaphore(%run_scoped3A : memref<!tpu.dma_semaphore, #tpu.memory_space<semaphore_mem>>) {add = true}
        %dma_wait3A_39 = arith.constant 0 : i32
        %dma_wait3A_40 = tpu.memref_slice %arg7[%add3A_22, %dma_wait3A_39] : memref<158x128xi32, #tpu.memory_space<vmem>> -> memref<1x128xi32, #tpu.memory_space<vmem>>
        %dma_wait3A_41 = tpu.memref_squeeze %dma_wait3A_40 : memref<1x128xi32, #tpu.memory_space<vmem>> -> memref<128xi32, #tpu.memory_space<vmem>>
        %dma_wait3A_42 = arith.constant 0 : i32
        %dma_wait3A_43 = arith.constant 0 : i32
        %dma_wait3A_44 = tpu.memref_slice %arg11[%dma_wait3A_42, %dma_wait3A_43] : memref<5248x128xf32, #tpu.memory_space<vmem_shared>> -> memref<5248x128xf32, #tpu.memory_space<vmem_shared>>
        tpu.wait_indirect_dma semaphore(%run_scoped3A : memref<!tpu.dma_semaphore, #tpu.memory_space<semaphore_mem>>) src(%arg8 : memref<128x128xf32, #tpu.memory_space<vmem>>) dst(%dma_wait3A_44 : memref<5248x128xf32, #tpu.memory_space<vmem_shared>>)
        tpu.yield
      }) : () -> ()
    }
    %scan3A_16 = arith.constant 158 : i32
    %barrier3A_17 = arith.constant 0 : index
    tpu.barrier barrier_id(%barrier3A_17)
    "tpu.region"() ({
      %run_scoped3A = tpu.sem_alloc : memref<!tpu.dma_semaphore, #tpu.memory_space<semaphore_mem>>
      %dma_start3A = arith.constant 0 : i32
      %dma_start3A_18 = tpu.memref_slice %arg5[%arg0, %mul3A_4, %dma_start3A] : memref<2x5120x128xf32, #tpu.memory_space<hbm>> -> memref<1x320x128xf32, #tpu.memory_space<hbm>>
      %dma_start3A_19 = tpu.memref_squeeze %dma_start3A_18 : memref<1x320x128xf32, #tpu.memory_space<hbm>> -> memref<320x128xf32, #tpu.memory_space<hbm>>
      %dma_start3A_20 = arith.constant 0 : i32
      %dma_start3A_21 = tpu.memref_slice %arg11[%mul3A_4, %dma_start3A_20] : memref<5248x128xf32, #tpu.memory_space<vmem_shared>> -> memref<320x128xf32, #tpu.memory_space<vmem_shared>>
      tpu.enqueue_dma source(%dma_start3A_21 : memref<320x128xf32, #tpu.memory_space<vmem_shared>>) target(%dma_start3A_19 : memref<320x128xf32, #tpu.memory_space<hbm>>) target_semaphore(%run_scoped3A : memref<!tpu.dma_semaphore, #tpu.memory_space<semaphore_mem>>)
      %dma_wait3A = arith.constant 0 : i32
      %dma_wait3A_22 = tpu.memref_slice %arg5[%arg0, %mul3A_4, %dma_wait3A] : memref<2x5120x128xf32, #tpu.memory_space<hbm>> -> memref<1x320x128xf32, #tpu.memory_space<hbm>>
      %dma_wait3A_23 = tpu.memref_squeeze %dma_wait3A_22 : memref<1x320x128xf32, #tpu.memory_space<hbm>> -> memref<320x128xf32, #tpu.memory_space<hbm>>
      %dma_wait3A_24 = arith.constant 0 : i32
      %dma_wait3A_25 = tpu.memref_slice %arg11[%mul3A_4, %dma_wait3A_24] : memref<5248x128xf32, #tpu.memory_space<vmem_shared>> -> memref<320x128xf32, #tpu.memory_space<vmem_shared>>
      tpu.wait_dma2 semaphore(%run_scoped3A : memref<!tpu.dma_semaphore, #tpu.memory_space<semaphore_mem>>) src(%dma_wait3A_25 : memref<320x128xf32, #tpu.memory_space<vmem_shared>>) dst(%dma_wait3A_23 : memref<320x128xf32, #tpu.memory_space<hbm>>)
      tpu.yield
    }) : () -> ()
    return
  }
}

module attributes {stable_mosaic.version = 14 : i64} {
  func.func @_tc_a_body(%arg0: i32, %arg1: memref<1000x128xf32, #tpu.memory_space<vmem>>, %arg2: memref<128x128xf32, #tpu.memory_space<vmem>>, %arg3: memref<2x1000x128xf32, #tpu.memory_space<vmem>>, %arg4: memref<1000x128xf32, #tpu.memory_space<vmem>>) attributes {dimension_semantics = [#tpu.dimension_semantics<arbitrary>], iteration_bounds = array<i64: 10>, scalar_prefetch = 0 : i64, scratch_operands = 0 : i64, tpu.core_type = #tpu.core_type<tc>, window_params = [{transform_indices = @transform_0, window_bounds = array<i64: 1000, 128>}, {pipeline_mode = #tpu.pipeline_mode<synchronous>, transform_indices = @transform_1, window_bounds = array<i64: 128, 128>}, {transform_indices = @transform_2, window_bounds = array<i64: 2, 1000, 128>}, {transform_indices = @transform_3, window_bounds = array<i64: 1000, 128>}]} {
    %get3A = arith.constant 0 : index
    %get3A_0 = arith.constant 0 : index
    %get3A_1 = vector.load %arg1[%get3A, %get3A_0] : memref<1000x128xf32, #tpu.memory_space<vmem>>, vector<1000x128xf32>
    %get3A_2 = arith.constant 0 : index
    %get3A_3 = arith.constant 0 : index
    %get3A_4 = vector.load %arg2[%get3A_2, %get3A_3] : memref<128x128xf32, #tpu.memory_space<vmem>>, vector<128x128xf32>
    %dot_general3A = arith.constant dense<0.000000e+00> : vector<1000x128xf32>
    %dot_general3A_5 = tpu.matmul %get3A_1, %get3A_4, %dot_general3A {dimension_numbers = #tpu.dot_dimension_numbers<[1], [0], [0], [1], [0, 0, 1, 1], [], []>, transpose_lhs_hint = false} : vector<1000x128xf32>, vector<128x128xf32>, vector<1000x128xf32> -> vector<1000x128xf32>
    %get3A_6 = arith.constant 0 : index
    %get3A_7 = arith.constant 0 : index
    %get3A_8 = arith.constant 0 : index
    %get3A_9 = vector.load %arg3[%get3A_6, %get3A_7, %get3A_8] : memref<2x1000x128xf32, #tpu.memory_space<vmem>>, vector<1x1000x1xf32>
    %get3A_10 = vector.shape_cast %get3A_9 : vector<1x1000x1xf32> to vector<1000x1xf32>
    %get3A_11 = arith.constant 1 : index
    %get3A_12 = arith.constant 0 : index
    %get3A_13 = arith.constant 0 : index
    %get3A_14 = vector.load %arg3[%get3A_11, %get3A_12, %get3A_13] : memref<2x1000x128xf32, #tpu.memory_space<vmem>>, vector<1x1000x1xf32>
    %get3A_15 = vector.shape_cast %get3A_14 : vector<1x1000x1xf32> to vector<1000x1xf32>
    %add3A = arith.addf %get3A_10, %get3A_15 : vector<1000x1xf32>
    %add3A_16 = arith.constant 1.000000e+00 : f32
    %add3A_17 = vector.broadcast %add3A_16 : f32 to vector<1000x1xf32>
    %add3A_18 = arith.addf %add3A, %add3A_17 : vector<1000x1xf32>
    %rsqrt3A = math.rsqrt %add3A_18 : vector<1000x1xf32>
    %mul3A = vector.broadcast %rsqrt3A : vector<1000x1xf32> to vector<1000x128xf32>
    %mul3A_19 = arith.mulf %dot_general3A_5, %mul3A : vector<1000x128xf32>
    %swap3A = arith.constant 0 : index
    %swap3A_20 = arith.constant 0 : index
    %swap3A_21 = vector.load %arg4[%swap3A, %swap3A_20] : memref<1000x128xf32, #tpu.memory_space<vmem>>, vector<1000x128xf32>
    tpu.vector_store %arg4[%swap3A, %swap3A_20], %mul3A_19 {strides = array<i32>} : memref<1000x128xf32, #tpu.memory_space<vmem>>, vector<1000x128xf32>,
    return
  }
  func.func @transform_0(%arg0: i32) -> (i32, i32) {
    %c0_i32 = arith.constant 0 : i32
    %c0_i32_0 = arith.constant 0 : i32
    return %arg0, %c0_i32 : i32, i32
  }
  func.func @transform_1(%arg0: i32) -> (i32, i32) {
    %c0_i32 = arith.constant 0 : i32
    %c0_i32_0 = arith.constant 0 : i32
    %c0_i32_1 = arith.constant 0 : i32
    return %c0_i32, %c0_i32_0 : i32, i32
  }
  func.func @transform_2(%arg0: i32) -> (i32, i32, i32) {
    %c0_i32 = arith.constant 0 : i32
    %c0_i32_0 = arith.constant 0 : i32
    %c0_i32_1 = arith.constant 0 : i32
    return %c0_i32, %arg0, %c0_i32_0 : i32, i32, i32
  }
  func.func @transform_3(%arg0: i32) -> (i32, i32) {
    %c0_i32 = arith.constant 0 : i32
    %c0_i32_0 = arith.constant 0 : i32
    return %arg0, %c0_i32 : i32, i32
  }
}

module attributes {stable_mosaic.version = 14 : i64} {
  func.func @_tc_b_body(%arg0: i32, %arg1: memref<1000x128xf32, #tpu.memory_space<vmem>>, %arg2: memref<1000x128xf32, #tpu.memory_space<vmem>>, %arg3: memref<2x1000x128xf32, #tpu.memory_space<vmem>>, %arg4: memref<1x128xf32, #tpu.memory_space<vmem>>, %arg5: memref<1000x128xf32, #tpu.memory_space<vmem>>) attributes {dimension_semantics = [#tpu.dimension_semantics<arbitrary>], iteration_bounds = array<i64: 10>, scalar_prefetch = 0 : i64, scratch_operands = 0 : i64, tpu.core_type = #tpu.core_type<tc>, window_params = [{transform_indices = @transform_0, window_bounds = array<i64: 1000, 128>}, {transform_indices = @transform_1, window_bounds = array<i64: 1000, 128>}, {transform_indices = @transform_2, window_bounds = array<i64: 2, 1000, 128>}, {pipeline_mode = #tpu.pipeline_mode<synchronous>, transform_indices = @transform_3, window_bounds = array<i64: 1, 128>}, {transform_indices = @transform_4, window_bounds = array<i64: 1000, 128>}]} {
    %get3A = arith.constant 0 : index
    %get3A_0 = arith.constant 0 : index
    %get3A_1 = arith.constant 0 : index
    %get3A_2 = vector.load %arg3[%get3A, %get3A_0, %get3A_1] : memref<2x1000x128xf32, #tpu.memory_space<vmem>>, vector<1x1000x1xf32>
    %get3A_3 = vector.shape_cast %get3A_2 : vector<1x1000x1xf32> to vector<1000x1xf32>
    %get3A_4 = arith.constant 1 : index
    %get3A_5 = arith.constant 0 : index
    %get3A_6 = arith.constant 0 : index
    %get3A_7 = vector.load %arg3[%get3A_4, %get3A_5, %get3A_6] : memref<2x1000x128xf32, #tpu.memory_space<vmem>>, vector<1x1000x1xf32>
    %get3A_8 = vector.shape_cast %get3A_7 : vector<1x1000x1xf32> to vector<1000x1xf32>
    %add3A = arith.addf %get3A_3, %get3A_8 : vector<1000x1xf32>
    %add3A_9 = arith.constant 1.000000e+00 : f32
    %add3A_10 = vector.broadcast %add3A_9 : f32 to vector<1000x1xf32>
    %add3A_11 = arith.addf %add3A, %add3A_10 : vector<1000x1xf32>
    %rsqrt3A = math.rsqrt %add3A_11 : vector<1000x1xf32>
    %get3A_12 = arith.constant 0 : index
    %get3A_13 = arith.constant 0 : index
    %get3A_14 = vector.load %arg1[%get3A_12, %get3A_13] : memref<1000x128xf32, #tpu.memory_space<vmem>>, vector<1000x128xf32>
    %get3A_15 = arith.constant 0 : index
    %get3A_16 = arith.constant 0 : index
    %get3A_17 = vector.load %arg2[%get3A_15, %get3A_16] : memref<1000x128xf32, #tpu.memory_space<vmem>>, vector<1000x128xf32>
    %add3A_18 = arith.addf %get3A_14, %get3A_17 : vector<1000x128xf32>
    %mul3A = vector.broadcast %rsqrt3A : vector<1000x1xf32> to vector<1000x128xf32>
    %mul3A_19 = arith.mulf %add3A_18, %mul3A : vector<1000x128xf32>
    %get3A_20 = arith.constant 0 : index
    %get3A_21 = arith.constant 0 : index
    %get3A_22 = vector.load %arg4[%get3A_20, %get3A_21] : memref<1x128xf32, #tpu.memory_space<vmem>>, vector<1x128xf32>
    %add3A_23 = vector.broadcast %get3A_22 : vector<1x128xf32> to vector<1000x128xf32>
    %add3A_24 = arith.addf %mul3A_19, %add3A_23 : vector<1000x128xf32>
    %max3A = arith.constant 0.000000e+00 : f32
    %max3A_25 = vector.broadcast %max3A : f32 to vector<1000x128xf32>
    %max3A_26 = arith.maximumf %add3A_24, %max3A_25 : vector<1000x128xf32>
    %mul3A_27 = vector.broadcast %rsqrt3A : vector<1000x1xf32> to vector<1000x128xf32>
    %mul3A_28 = arith.mulf %max3A_26, %mul3A_27 : vector<1000x128xf32>
    %swap3A = arith.constant 0 : index
    %swap3A_29 = arith.constant 0 : index
    %swap3A_30 = vector.load %arg5[%swap3A, %swap3A_29] : memref<1000x128xf32, #tpu.memory_space<vmem>>, vector<1000x128xf32>
    tpu.vector_store %arg5[%swap3A, %swap3A_29], %mul3A_28 {strides = array<i32>} : memref<1000x128xf32, #tpu.memory_space<vmem>>, vector<1000x128xf32>,
    return
  }
  func.func @transform_0(%arg0: i32) -> (i32, i32) {
    %c0_i32 = arith.constant 0 : i32
    %c0_i32_0 = arith.constant 0 : i32
    return %arg0, %c0_i32 : i32, i32
  }
  func.func @transform_1(%arg0: i32) -> (i32, i32) {
    %c0_i32 = arith.constant 0 : i32
    %c0_i32_0 = arith.constant 0 : i32
    return %arg0, %c0_i32 : i32, i32
  }
  func.func @transform_2(%arg0: i32) -> (i32, i32, i32) {
    %c0_i32 = arith.constant 0 : i32
    %c0_i32_0 = arith.constant 0 : i32
    %c0_i32_1 = arith.constant 0 : i32
    return %c0_i32, %arg0, %c0_i32_0 : i32, i32, i32
  }
  func.func @transform_3(%arg0: i32) -> (i32, i32) {
    %c0_i32 = arith.constant 0 : i32
    %c0_i32_0 = arith.constant 0 : i32
    %c0_i32_1 = arith.constant 0 : i32
    return %c0_i32, %c0_i32_0 : i32, i32
  }
  func.func @transform_4(%arg0: i32) -> (i32, i32) {
    %c0_i32 = arith.constant 0 : i32
    %c0_i32_0 = arith.constant 0 : i32
    return %arg0, %c0_i32 : i32, i32
  }
}

module attributes {stable_mosaic.version = 14 : i64} {
  func.func @_tc_c_body(%arg0: i32, %arg1: memref<1000x128xf32, #tpu.memory_space<vmem>>, %arg2: memref<1000x128xf32, #tpu.memory_space<vmem>>, %arg3: memref<2x1000x128xf32, #tpu.memory_space<vmem>>, %arg4: memref<1x64xf32, #tpu.memory_space<vmem>>, %arg5: memref<128x64xf32, #tpu.memory_space<vmem>>, %arg6: memref<1000x64xf32, #tpu.memory_space<vmem>>) attributes {dimension_semantics = [#tpu.dimension_semantics<arbitrary>], iteration_bounds = array<i64: 10>, scalar_prefetch = 0 : i64, scratch_operands = 0 : i64, tpu.core_type = #tpu.core_type<tc>, window_params = [{transform_indices = @transform_0, window_bounds = array<i64: 1000, 128>}, {transform_indices = @transform_1, window_bounds = array<i64: 1000, 128>}, {transform_indices = @transform_2, window_bounds = array<i64: 2, 1000, 128>}, {pipeline_mode = #tpu.pipeline_mode<synchronous>, transform_indices = @transform_3, window_bounds = array<i64: 1, 64>}, {pipeline_mode = #tpu.pipeline_mode<synchronous>, transform_indices = @transform_4, window_bounds = array<i64: 128, 64>}, {transform_indices = @transform_5, window_bounds = array<i64: 1000, 64>}]} {
    %get3A = arith.constant 0 : index
    %get3A_0 = arith.constant 0 : index
    %get3A_1 = vector.load %arg1[%get3A, %get3A_0] : memref<1000x128xf32, #tpu.memory_space<vmem>>, vector<1000x128xf32>
    %get3A_2 = arith.constant 0 : index
    %get3A_3 = arith.constant 0 : index
    %get3A_4 = vector.load %arg2[%get3A_2, %get3A_3] : memref<1000x128xf32, #tpu.memory_space<vmem>>, vector<1000x128xf32>
    %add3A = arith.addf %get3A_1, %get3A_4 : vector<1000x128xf32>
    %get3A_5 = arith.constant 0 : index
    %get3A_6 = arith.constant 0 : index
    %get3A_7 = arith.constant 0 : index
    %get3A_8 = vector.load %arg3[%get3A_5, %get3A_6, %get3A_7] : memref<2x1000x128xf32, #tpu.memory_space<vmem>>, vector<1x1000x1xf32>
    %get3A_9 = vector.shape_cast %get3A_8 : vector<1x1000x1xf32> to vector<1000x1xf32>
    %get3A_10 = arith.constant 1 : index
    %get3A_11 = arith.constant 0 : index
    %get3A_12 = arith.constant 0 : index
    %get3A_13 = vector.load %arg3[%get3A_10, %get3A_11, %get3A_12] : memref<2x1000x128xf32, #tpu.memory_space<vmem>>, vector<1x1000x1xf32>
    %get3A_14 = vector.shape_cast %get3A_13 : vector<1x1000x1xf32> to vector<1000x1xf32>
    %add3A_15 = arith.addf %get3A_9, %get3A_14 : vector<1000x1xf32>
    %add3A_16 = arith.constant 1.000000e+00 : f32
    %add3A_17 = vector.broadcast %add3A_16 : f32 to vector<1000x1xf32>
    %add3A_18 = arith.addf %add3A_15, %add3A_17 : vector<1000x1xf32>
    %rsqrt3A = math.rsqrt %add3A_18 : vector<1000x1xf32>
    %mul3A = vector.broadcast %rsqrt3A : vector<1000x1xf32> to vector<1000x128xf32>
    %mul3A_19 = arith.mulf %add3A, %mul3A : vector<1000x128xf32>
    %get3A_20 = arith.constant 0 : index
    %get3A_21 = arith.constant 0 : index
    %get3A_22 = vector.load %arg5[%get3A_20, %get3A_21] : memref<128x64xf32, #tpu.memory_space<vmem>>, vector<128x64xf32>
    %dot_general3A = arith.constant dense<0.000000e+00> : vector<1000x64xf32>
    %dot_general3A_23 = tpu.matmul %mul3A_19, %get3A_22, %dot_general3A {dimension_numbers = #tpu.dot_dimension_numbers<[1], [0], [0], [1], [0, 0, 1, 1], [], []>, transpose_lhs_hint = false} : vector<1000x128xf32>, vector<128x64xf32>, vector<1000x64xf32> -> vector<1000x64xf32>
    %get3A_24 = arith.constant 0 : index
    %get3A_25 = arith.constant 0 : index
    %get3A_26 = vector.load %arg4[%get3A_24, %get3A_25] : memref<1x64xf32, #tpu.memory_space<vmem>>, vector<1x64xf32>
    %add3A_27 = vector.broadcast %get3A_26 : vector<1x64xf32> to vector<1000x64xf32>
    %add3A_28 = arith.addf %dot_general3A_23, %add3A_27 : vector<1000x64xf32>
    %swap3A = arith.constant 0 : index
    %swap3A_29 = arith.constant 0 : index
    %swap3A_30 = vector.load %arg6[%swap3A, %swap3A_29] : memref<1000x64xf32, #tpu.memory_space<vmem>>, vector<1000x64xf32>
    tpu.vector_store %arg6[%swap3A, %swap3A_29], %add3A_28 {strides = array<i32>} : memref<1000x64xf32, #tpu.memory_space<vmem>>, vector<1000x64xf32>,
    return
  }
  func.func @transform_0(%arg0: i32) -> (i32, i32) {
    %c0_i32 = arith.constant 0 : i32
    %c0_i32_0 = arith.constant 0 : i32
    return %arg0, %c0_i32 : i32, i32
  }
  func.func @transform_1(%arg0: i32) -> (i32, i32) {
    %c0_i32 = arith.constant 0 : i32
    %c0_i32_0 = arith.constant 0 : i32
    return %arg0, %c0_i32 : i32, i32
  }
  func.func @transform_2(%arg0: i32) -> (i32, i32, i32) {
    %c0_i32 = arith.constant 0 : i32
    %c0_i32_0 = arith.constant 0 : i32
    %c0_i32_1 = arith.constant 0 : i32
    return %c0_i32, %arg0, %c0_i32_0 : i32, i32, i32
  }
  func.func @transform_3(%arg0: i32) -> (i32, i32) {
    %c0_i32 = arith.constant 0 : i32
    %c0_i32_0 = arith.constant 0 : i32
    %c0_i32_1 = arith.constant 0 : i32
    return %c0_i32, %c0_i32_0 : i32, i32
  }
  func.func @transform_4(%arg0: i32) -> (i32, i32) {
    %c0_i32 = arith.constant 0 : i32
    %c0_i32_0 = arith.constant 0 : i32
    %c0_i32_1 = arith.constant 0 : i32
    return %c0_i32, %c0_i32_0 : i32, i32
  }
  func.func @transform_5(%arg0: i32) -> (i32, i32) {
    %c0_i32 = arith.constant 0 : i32
    %c0_i32_0 = arith.constant 0 : i32
    return %arg0, %c0_i32 : i32, i32
  }
}

</mosaic_0001>

<sc_bundles>
// kernel: kernel.11.cloned.1.call-start
scs
__scs_entry_jumppad:
0x0: {  	(pc) =	sbr.rel $0x88, $3  }
0x1: {  	(tag) =	ssettag $0x0;
	lr =	simm.s32 $0x1  }
0x2: {  	[smem:$0x3F9B] =	sst lr;
	_ =	strace $0xD0000000  }
0x3: {  	_ = 	snop  }
0x4: {  	_ = 	snop  }
0x5: {  	_ = 	snop  }
0x6: {  	_ = 	snop  }
0x7: {  	_ = 	snop  }
__scs_overlays_trampoline_lowered:
0x8: {  	[smem:$0x3FAA] =	sst s0  }
0x9: {  	[smem:$0x3FAB] =	sst s1  }
0xa: {  	[smem:$0x3FAC] =	sst s2  }
0xb: {  	[smem:$0x3FAD] =	sst s3  }
0xc: {  	[smem:$0x3FAE] =	sst s4  }
0xd: {  	[smem:$0x3FAF] =	sst s5  }
0xe: {  	[smem:$0x3FB0] =	sst s6  }
0xf: {  	[smem:$0x3FB1] =	sst s7  }
0x10: {  	[smem:$0x3FB2] =	sst s8  }
0x11: {  	[smem:$0x3FB3] =	sst s9;
	s0 =	simm.s32 @!p0 $0x0  }
0x12: {  	s1 =	sld [smem:$0x3F99];
	s0 =	simm.s32 @p0 $0x1  }
0x13: {  	[smem:$0x3FB4] =	sst s0;
	s0 =	simm.s32 @!p1 $0x0  }
0x14: {  	s2 =	sld [smem:$0x3F98];
	s0 =	simm.s32 @p1 $0x1  }
0x15: {  	[smem:$0x3FB5] =	sst s0;
	s0 =	simm.s32 @!p2 $0x0  }
0x16: {  	s3 =	sld [smem:$0x3FDB];
	s0 =	simm.s32 @p2 $0x1  }
0x17: {  	s4 =	simm.s32 $0x1BF5;
	[smem:$0x3FB7] =	sst s0  }
0x18: {  	s0 =	sld [smem:$0x3F9A];
	_ =	swait.ge [sflag:s4], $0x0  }
0x19: {  	s7 =	sld [smem:$0x3F9B]  }
0x1a: {  	s8 =	sadd.s32 $0xFFFFE003, lr  }
0x1b: {  	s9 =	sadd.s32 $0xFFFFFEF7, lr;
	s5 =	simm.s32 $0xFFFFFFFF;
	p2 =	slt.u32 s8, $0xFFFFF086  }
0x1c: {  	p1 =	slt.u32 s9, $0xF7A;
	s5 =	simm.s32 @!p2 $0x0  }
0x1d: {  	s5 =	simm.s32 @p1 $0x1;
	p0 =	seq.s32 s7, s2  }
0x1e: {  	s7 =	smul.u32 @!p0 $0xF7A, s2;
	p2 =	seq.s32 @!p0 s5, $0x0  }
0x1f: {  	s9 =	smul.u32 $0xF7A, s1;
	s8 =	simm.s32 @!p0 $0x1BF5;
	p2 =	por !p2, p0  }
0x20: {  	[sflag:s8] =	ssyncset.s32 @!p0 $0xFFFFF086;
	s6 =	sadd.s32 @!p0 s3, s7;
	s7 =	simm.s32 @!p0 $0x108  }
0x21: {  	s3 =	sadd.s32 s3, s9;
	s6 =	sadd.s32 @!p0 $0x88, s6;
	s7 =	simm.s32 @p2 $0x1082  }
0x22: {  	[simem:s7], [sflag:s8] =	dma.local @!p0 [hbm:s6], $0xF7A  }
0x23: {  	s9 =	sor.u32 $0xD0000000, s2;
	s6 =	simm.s32 $0x108;
	_ =	swait.ge @!p0 [sflag:s8], $0x0  }
0x24: {  	s3 =	sadd.s32 $0x88, s3;
	s6 =	simm.s32 @!p1 $0x1082;
	[sflag:s4] =	ssyncset.s32 $0xFFFFF086  }
0x25: {  	[simem:s6], [sflag:s4] =	dma.local [hbm:s3], $0xF7A  }
0x26: {  	[smem:$0x3F9B] =	sst s1;
	(tag) =	ssettag s2;
	_ =	strace s9  }
0x27: {  	s1 =	sld [smem:$0x3FAB]  }
0x28: {  	s2 =	sld [smem:$0x3FAC]  }
0x29: {  	s4 =	sld [smem:$0x3FAE]  }
0x2a: {  	p0 =	seq.s32 s5, $0x0;
	s5 =	sld [smem:$0x3FAF]  }
0x2b: {  	s6 =	sld [smem:$0x3FB0]  }
0x2c: {  	s7 =	sld [smem:$0x3FB1]  }
0x2d: {  	s3 =	simm.s32 $0x108;
	s8 =	sld [smem:$0x3FB2]  }
0x2e: {  	s3 =	simm.s32 @!p0 $0x1082;
	s9 =	sld [smem:$0x3FB3]  }
0x2f: {  	lr =	sadd.s32 s0, s3;
	s0 =	sld [smem:$0x3FAA]  }
0x30: {  	s3 =	sld [smem:$0x3FAD]  }
0x31: {  	[smem:$0x3FB6] =	sst s10  }
0x32: {  	s10 =	sld [smem:$0x3FB4];
	_ =	sdelay $0x3  }
0x33: {  	p0 =	seq.s32 s10, $0x1;
	s10 =	sld [smem:$0x3FB6];
	_ =	sdelay $0x3  }
0x34: {  	[smem:$0x3FB6] =	sst s10  }
0x35: {  	s10 =	sld [smem:$0x3FB5];
	_ =	sdelay $0x3  }
0x36: {  	p1 =	seq.s32 s10, $0x1;
	s10 =	sld [smem:$0x3FB6];
	_ =	sdelay $0x3  }
0x37: {  	[smem:$0x3FB6] =	sst s10  }
0x38: {  	s10 =	sld [smem:$0x3FB7]  }
0x39: {  	_ = 	snop;
	(pc) =	sbr.ind lr, $3  }
0x3a: {  	_ = 	snop  }
0x3b: {  	_ = 	snop  }
0x3c: {  	p2 =	seq.s32 s10, $0x1;
	s10 =	sld [smem:$0x3FB6]  }
0x3d: {  	_ =	shalt  }
0x3e: {  	_ =	shalt  }
0x3f: {  	_ =	shalt  }
0x40: {  	_ =	shalt  }
0x41: {  	_ =	shalt  }
0x42: {  	_ =	shalt  }
0x43: {  	_ =	shalt  }
0x44: {  	_ =	shalt  }
0x45: {  	_ =	shalt  }
0x46: {  	_ =	shalt  }
0x47: {  	_ =	shalt  }
0x48: {  	_ =	shalt  }
0x49: {  	_ =	shalt  }
0x4a: {  	_ =	shalt  }
0x4b: {  	_ =	shalt  }
0x4c: {  	_ =	shalt  }
0x4d: {  	_ =	shalt  }
0x4e: {  	_ =	shalt  }
0x4f: {  	_ =	shalt  }
0x50: {  	_ =	shalt  }
0x51: {  	_ =	shalt  }
0x52: {  	_ =	shalt  }
0x53: {  	_ =	shalt  }
0x54: {  	_ =	shalt  }
0x55: {  	_ =	shalt  }
0x56: {  	_ =	shalt  }
0x57: {  	_ =	shalt  }
0x58: {  	_ =	shalt  }
0x59: {  	_ =	shalt  }
0x5a: {  	_ =	shalt  }
0x5b: {  	_ =	shalt  }
0x5c: {  	_ =	shalt  }
0x5d: {  	_ =	shalt  }
0x5e: {  	_ =	shalt  }
0x5f: {  	_ =	shalt  }
0x60: {  	_ =	shalt  }
0x61: {  	_ =	shalt  }
0x62: {  	_ =	shalt  }
0x63: {  	_ =	shalt  }
0x64: {  	_ =	shalt  }
0x65: {  	_ =	shalt  }
0x66: {  	_ =	shalt  }
0x67: {  	_ =	shalt  }
0x68: {  	_ =	shalt  }
0x69: {  	_ =	shalt  }
0x6a: {  	_ =	shalt  }
0x6b: {  	_ =	shalt  }
0x6c: {  	_ =	shalt  }
0x6d: {  	_ =	shalt  }
0x6e: {  	_ =	shalt  }
0x6f: {  	_ =	shalt  }
0x70: {  	_ =	shalt  }
0x71: {  	_ =	shalt  }
0x72: {  	_ =	shalt  }
0x73: {  	_ =	shalt  }
0x74: {  	_ =	shalt  }
0x75: {  	_ =	shalt  }
0x76: {  	_ =	shalt  }
0x77: {  	_ =	shalt  }
0x78: {  	_ =	shalt  }
0x79: {  	_ =	shalt  }
0x7a: {  	_ =	shalt  }
0x7b: {  	_ =	shalt  }
0x7c: {  	_ =	shalt  }
0x7d: {  	_ =	shalt  }
0x7e: {  	_ =	shalt  }
0x7f: {  	_ =	shalt  }
0x80: {  	_ =	shalt  }
0x81: {  	_ =	shalt  }
0x82: {  	_ =	shalt  }
0x83: {  	_ =	shalt  }
0x84: {  	_ =	shalt  }
0x85: {  	_ =	shalt  }
0x86: {  	_ =	shalt  }
0x87: {  	_ =	shalt  }
.Lfunc_end0:
.L_simem_size_0:
called_computation.1_lowered:
.L_overlay_start_0:
0x88: {  	s2 =	sld [smem:$0x3FD9]  }
0x89: {  	s3 =	sld [smem:$0x3FFE];
	_ =	sdelay $0x1  }
0x8a: {  	s1 =	srdreg.scid  }
0x8b: {  	s0 =	sand.u32 $0x1, s1  }
0x8c: {  	s16 =	sshll.u32 s0, $0xA;
	s2 =	sadd.s32 s3, s2  }
0x8d: {  	s2 =	sadd.s32 s2, s16  }
0x8e: {  	[smem:$0x3FC2] =	sst s2  }
0x8f: {  	_ = 	snop  }
0x90: {  	(tm) =	ssettm $0x1  }
0x91: {  	s17 =	sld [smem:$0x3FFB];
	_ =	sdelay $0x3  }
0x92: {  	_ =	strace s17  }
0x93: {  	s2 =	sld [smem:$0x3FFC];
	_ =	sdelay $0x3  }
0x94: {  	_ =	strace s2  }
0x95: {  	s2 =	sld [smem:$0x3FFD];
	_ =	sdelay $0x3  }
0x96: {  	_ =	strace s2  }
0x97: {  	_ =	strace $0x8FFFFFFF  }
0x98: {  	s18 =	sld [smem:$0x3FDB];
	_ =	sdelay $0x1  }
0x99: {  	s19 =	simm.s32 $_scs_section_size  }
0x9a: {  	s4 =	simm.s32 $_size__tile_overlayer_lowered;
	s5 =	simm.s32 $_tile_overlayer_lowered  }
0x9b: {  	s22 =	simm.s32 $0x1BFF;
	s21 =	sshll.u32 s5, $0x1;
	s2 =	sadd.s32 s19, s18  }
0x9c: {  	s6 =	simm.s32 $0x0;
	s20 =	sshll.u32 s4, $0x1;
	s4 =	sadd.s32 s21, s2  }
0x9d: {  	[timem:s6], [sflag:s22] =	dma.local [hbm:s4], s20  }
0x9e: {  	_ =	swait.ge [sflag:s22], s20  }
0x9f: {  	s3 =	ssub.s32 $0x0, s20;
	[sflag:s22] =	ssyncset.done $0x0  }
0xa0: {  	[sflag:s22] =	ssyncadd.s32 s3;
	_ =	sdelay $0x1  }
0xa1: {  	s23 =	simm.s32 $0x1B8B  }
0xa2: {  	_ =	swait.ge [sflag:s23], $0x1  }
0xa3: {  	[sflag:s23] =	ssyncset.done $0x0  }
0xa4: {  	s25 =	simm.s32 $0x1B8E;
	s24 =	sld [smem:$0x3FFE];
	[sflag:s23] =	ssyncadd.s32 $0xFFFFFFFF  }
0xa5: {  	s26 =	simm.s32 $execute0_lowered;
	[smem:$0x3FD2] =	sst s25  }
0xa6: {  	s4 =	sshll.u32 s26, $0x1;
	_ =	strace $0x80000049;
	[dreg:$0x1] =	wrdreg $0xFFFFFFFF  }
0xa7: {  	s28 =	simm.s32 $_size_execute0_lowered;
	s2 =	sadd.s32 s2, s4;
	[dreg:$0x0] =	wrdreg $0x0  }
0xa8: {  	s4 =	sshll.u32 s28, $0x1;
	[dreg:$0x2] =	wrdreg s2  }
0xa9: {  	[dreg:$0x3] =	wrdreg s4  }
0xaa: {  	[dreg:$0x4] =	wrdreg $0xC0  }
0xab: {  	_ =	task [dreg:s6], $0x5FFFF  }
0xac: {  	[dreg:$0x1] =	wrdreg $0xFFFFFFFF  }
0xad: {  	[dreg:$0x0] =	wrdreg $0x60  }
0xae: {  	[dreg:$0x2] =	wrdreg s24  }
0xaf: {  	[dreg:$0x3] =	wrdreg $0x120000  }
0xb0: {  	[dreg:$0x4] =	wrdreg $0x9  }
0xb1: {  	_ =	task.clear_ibuf [dreg:s6], $0x5FFFF;
	_ =	strace $0x90000049  }
0xb2: {  	s29 =	simm.s32 $0x9;
	_ =	strace $0x8000004B  }
0xb3: {  	_ =	swait.ge [sflag:s29], $0x1  }
0xb4: {  	[sflag:s29] =	ssyncadd.s32 $0xFFFFFFFF  }
0xb5: {  	_ =	strace $0x9000004B  }
0xb6: {  	_ =	sfence  }
0xb7: {  	s30 =	sld [smem:$0x0];
	_ =	sdelay $0x2  }
0xb8: {  	s31 =	sshll.u32 s1, $0xD;
	s1 =	sshrl.u32 s1, $0x2  }
0xb9: {  	s3 =	sand.u32 $0x4000, s31;
	s1 =	sadd.s32 s1, s30  }
0xba: {  	s0 =	sor.u32 s3, s0;
	s1 =	sshll.u32 s1, $0x11  }
0xbb: {  	s0 =	sor.u32 s1, s0  }
0xbc: {  	s0 =	sadd.s32 $0x8F2B, s0  }
0xbd: {  	[sflag:s0] =	ssyncadd.remote.s32 $0x1  }
0xbe: {  	_ =	sfence.sel $0xFFFF  }
0xbf: {  	[dreg:$0x0] =	wrdreg $0xFFFFFFFF;
	(pc) =	sbr.abs _section_cstart, $3  }
0xc0: {  	[dreg:$0x1] =	wrdreg $0xFFFFFFFF  }
0xc1: {  	_ =	task.clear_ibuf [dreg:s6], $0x2FFFF;
	_ =	strace $0x9FFFFFFF  }
0xc2: {  	(tm) =	ssettm $0x7FFFFFFF  }
0xc3: {  	_ =	shalt  }
tec
execute0_lowered:
.L_overlay_start_1:
0x0: {  	(tag) =	ssettag $0x1  }
0x1: {  	s5 =	rddreg [dreg:$0x0];
	s0 =	stileid.u32  }
0x2: {  	s1 =	srdreg.scid;
	s2 =	rddreg [dreg:$0x1];
	s3 =	simm.s32 $0x0  }
0x3: {  	s14 =	simm.s32 $0xE000;
	s15 =	simm.s32 $0x80;
	s6 =	smul.u32 $0x5000, s0  }
0x4: {  	s16 =	simm.s32 $0xA000;
	s17 =	simm.s32 $0x1;
	s11 =	smul.u32 $0xA000, s0  }
0x5: {  	s7 =	sand.u32 $0x1, s1;
	s1 =	rddreg [dreg:$0x2];
	s26 =	smul.u32 $0x28000, s0  }
0x6: {  	s20 =	simm.s32 $0x0;
	[smem:$0x7FF] =	sst s3;
	s8 =	smul.u32 $0x50000, s7  }
0x7: {  	s4 =	sadd.s32 $0x6F600, s5;
	s18 =	sshll.u32 s0, $0x6;
	s9 =	smul.u32 $0xA0000, s7  }
0x8: {  	_ =	strace $0x8000004A;
	s7 =	ssub.s32 $0x2, s7;
	s18 =	sor.u32 $0x1C02, s18  }
0x9: {  	s10 =	sshrl.u32 s6, $0x3;
	s30 =	sshrl.u32 s7, $0x1;
	s31 =	sshrl.u32 s26, $0x2  }
0xa: {  	s10 =	sadd.s32 s10, s5;
	s6 =	sadd.s32 s6, s8;
	s25 =	sadd.s32 s11, s9  }
0xb: {  	s13 =	ssub.s32 s7, s30;
	s6 =	sshrl.u32 s6, $0x3;
	s29 =	sshrl.u32 s25, $0x3  }
0xc: {  	s28 =	sadd.s32 s6, s5;
	s12 =	sadd.s32 s29, s5;
	s5 =	sadd.s32 $0x51600, s10  }
0xd: {  	s6 =	sadd.s32 s31, s2;
	s10 =	smax.u32 s13, $0x1;
	s13 =	simm.s32 $0x5000  }
0xe: {  	s7 =	sadd.s32 $0x5B600, s28;
	s8 =	sadd.s32 $0x8000, s6;
	s9 =	sadd.s32 $0x96800, s12  }
0xf: {  	v0 =	vimm.f32 $0.0e+00;
	s11 =	sadd.s32 $0x4000, s6;
	s12 =	simm.s32 $0x2;
	s19 =	sshrl.u32 s6, $0x3  }
.LBB2_1:
0x10: {  	[tilespmem:s3], [sflag:$0x2] =	stream.linear.gather [hbm4b:s5+s3], $0x4F00, $0x38;
	[tilespmem:$0x1C400] =	vst v63  }
0x11: {  	_ =	swait.ge [sflag:s12], $0x4F00  }
0x12: {  	[sflag:s12] =	ssyncset.done $0x0  }
0x13: {  	[sflag:s12] =	ssyncadd.s32 $0xFFFFB100  }
0x14: {  	[tilespmem:s13], [sflag:$0x2] =	stream.linear.gather [hbm4b:s7+s3], $0x4F00, $0x38;
	[tilespmem:$0x1C400] =	vst v63  }
0x15: {  	_ =	swait.ge [sflag:s12], $0x4F00  }
0x16: {  	[sflag:s12] =	ssyncset.done $0x0  }
0x17: {  	s21 =	simm.s32 $0x0;
	s22 =	simm.s32 $0x200;
	[sflag:s12] =	ssyncadd.s32 $0xFFFFB100  }
.LBB2_2:
0x18: {  	p0 =	sne.s32 s22, $0xFE00;
	[tilespmem:s21+$0xE070] =	vst v0  }
0x19: {  	[tilespmem:s21+$0xE000] =	vst v0  }
0x1a: {  	[tilespmem:s21+$0xE010] =	vst v0  }
.Ltmp0:
0x1b: {  	[tilespmem:s21+$0xE020] =	vst v0;
	(pc) =	sbr.rel @p0 .LBB2_2-.Ltmp0, $4  }
0x1c: {  	[tilespmem:s21+$0xE030] =	vst v0  }
0x1d: {  	[tilespmem:s21+$0xE040] =	vst v0  }
0x1e: {  	[tilespmem:s21+$0xE050] =	vst v0  }
0x1f: {  	[tilespmem:s21+$0xE060] =	vst v0;
	s21 =	sshra.s32 s22, $0x2;
	s22 =	sadd.s32 $0x200, s22  }
0x20: {  	[tilespmem:s21+$0xE070] =	vst v0  }
0x21: {  	[tilespmem:s21+$0xE000] =	vst v0  }
0x22: {  	[tilespmem:s21+$0xE010] =	vst v0  }
0x23: {  	[tilespmem:s21+$0xE020] =	vst v0  }
0x24: {  	[tilespmem:s21+$0xE030] =	vst v0  }
0x25: {  	[tilespmem:s21+$0xE040] =	vst v0  }
0x26: {  	[tilespmem:s21+$0xE050] =	vst v0  }
0x27: {  	[tilespmem:s21+$0xE060] =	vst v0  }
0x28: {  	[spmem:s6] =	stream.linear.scatter [tilespmem:s14], [sflag:$0x2], $0x4000, $0x38;
	[tilespmem:$0x1C400] =	vst v63  }
0x29: {  	_ =	swait.ge [sflag:s12], $0x4000  }
0x2a: {  	[sflag:s12] =	ssyncset.done $0x0  }
0x2b: {  	[sflag:s12] =	ssyncadd.s32 $0xFFFFC000  }
0x2c: {  	[spmem:s11] =	stream.linear.scatter [tilespmem:s14], [sflag:$0x2], $0x4000, $0x38;
	[tilespmem:$0x1C400] =	vst v63  }
0x2d: {  	_ =	swait.ge [sflag:s12], $0x4000  }
0x2e: {  	[sflag:s12] =	ssyncset.done $0x0  }
0x2f: {  	[sflag:s12] =	ssyncadd.s32 $0xFFFFC000  }
0x30: {  	[spmem:s8] =	stream.linear.scatter [tilespmem:s14], [sflag:$0x2], $0x2000, $0x38;
	[tilespmem:$0x1C400] =	vst v63  }
0x31: {  	_ =	swait.ge [sflag:s12], $0x2000  }
0x32: {  	[sflag:s12] =	ssyncset.done $0x0  }
0x33: {  	[sflag:s12] =	ssyncadd.s32 $0xFFFFE000  }
0x34: {  	s30 =	simm.s32 $0x0;
	[bflag:$0x0] =	sbarrier.arrive $0xFFFF  }
0x35: {  	[tilespmem:s16], [sflag:$0x1] =	stream.indirect.gather [hbm4b:s4+s15], $0x80, s30, s15, $0xb8;
	[tilespmem:$0x1C400] =	vst v63  }
0x36: {  	_ =	swait.ge [sflag:s17], $0x4000  }
0x37: {  	[sflag:s17] =	ssyncset.done $0x0  }
0x38: {  	s31 =	simm.s32 $0x5000;
	[sflag:s17] =	ssyncadd.s32 $0xFFFFC000  }
0x39: {  	[spmem:s2] =	stream.indirect.scatter.add.f32 [tilespmem:s16], [sflag:$0x2], $0x80, s31, s15, $0xb8;
	[tilespmem:$0x1C400] =	vst v63  }
0x3a: {  	_ =	swait.ge [sflag:s12], $0x4000  }
0x3b: {  	s21 =	simm.s32 $0x200;
	s22 =	simm.s32 $0x400;
	[sflag:s12] =	ssyncset.done $0x0  }
.LBB2_4:
0x3c: {  	s23 =	sshra.s32 s21, $0x2  }
0x3d: {  	[sflag:s12] =	ssyncadd.s32 $0xFFFFC000;
	s21 =	smov.u32 s22;
	s24 =	sadd.s32 $0x200, s22  }
0x3e: {  	[tilespmem:s16], [sflag:$0x1] =	stream.indirect.gather [hbm4b:s4+s15], $0x80, s23, s15, $0xb8;
	[tilespmem:$0x1C400] =	vst v63  }
0x3f: {  	p0 =	sne.s32 s22, $0x13A00;
	_ =	swait.ge [sflag:s17], $0x4000  }
.Ltmp1:
0x40: {  	[sflag:s17] =	ssyncset.done $0x0;
	(pc) =	sbr.rel @p0 .LBB2_4-.Ltmp1, $4  }
0x41: {  	s22 =	sadd.s32 $0x5000, s23;
	[sflag:s17] =	ssyncadd.s32 $0xFFFFC000  }
0x42: {  	[spmem:s2] =	stream.indirect.scatter.add.f32 [tilespmem:s16], [sflag:$0x2], $0x80, s22, s15, $0xb8;
	[tilespmem:$0x1C400] =	vst v63  }
0x43: {  	_ =	swait.ge [sflag:s12], $0x4000  }
0x44: {  	s22 =	smov.u32 s24;
	[sflag:s12] =	ssyncset.done $0x0  }
0x45: {  	s21 =	sshra.s32 s21, $0x2;
	[sflag:s12] =	ssyncadd.s32 $0xFFFFC000  }
0x46: {  	[tilespmem:s16], [sflag:$0x1] =	stream.indirect.gather [hbm4b:s4+s15], $0x80, s21, s15, $0xb8;
	[tilespmem:$0x1C400] =	vst v63  }
0x47: {  	_ =	swait.ge [sflag:s17], $0x4000  }
0x48: {  	[sflag:s17] =	ssyncset.done $0x0  }
0x49: {  	s21 =	sadd.s32 $0x5000, s21;
	[sflag:s17] =	ssyncadd.s32 $0xFFFFC000  }
0x4a: {  	[spmem:s2] =	stream.indirect.scatter.add.f32 [tilespmem:s16], [sflag:$0x2], $0x80, s21, s15, $0xb8;
	[tilespmem:$0x1C400] =	vst v63  }
0x4b: {  	_ =	swait.ge [sflag:s12], $0x4000  }
0x4c: {  	s20 =	sadd.s32 $0x1, s20;
	[sflag:s12] =	ssyncset.done $0x0  }
0x4d: {  	p0 =	sne.s32 s20, s10;
	[sflag:s12] =	ssyncadd.s32 $0xFFFFC000  }
.Ltmp2:
0x4e: {  	[bflag:$0x0] =	sbarrier.arrive $0xFFFF;
	(pc) =	sbr.rel @p0 .LBB2_1-.Ltmp2, $4  }
0x4f: {  	[hbm:s9], [sflag:s18] =	dma.local [spmem:s19], $0x1400  }
0x50: {  	_ =	swait.ge [sflag:s12], $0x1400  }
0x51: {  	[sflag:s12] =	ssyncset.done $0x0  }
0x52: {  	[sflag:s12] =	ssyncadd.s32 $0xFFFFEC00  }
0x53: {  	_ =	sfence.sel $0x180000  }
0x54: {  	[bflag:$0x0] =	sbarrier.arrive $0xFFFF  }
0x55: {  	p0 =	sne.s32 s0, $0x0;
	_ =	strace $0x9000004A  }
0x56: {  	s0 =	sadd.s32 @!p0 $0x100000, s1;
	[bflag:$0x2] =	sbarrier.arrive $0xFFFF  }
0x57: {  	[sflag:s0] =	ssyncadd.tile.s32 @!p0 $0x1;
	_ =	shalt  }
.Lfunc_end2:
_tile_overlayer_lowered:
.L_overlay_start_2:
0x58: {  	(tag) =	ssettag $0x2  }
0x59: {  	s0 =	rddreg [dreg:$0x0];
	s2 =	stileid.u32  }
0x5a: {  	s1 =	rddreg [dreg:$0x1];
	p0 =	sne.s32 s2, $0x0  }
0x5b: {  	s3 =	rddreg [dreg:$0x2];
	[bflag:$0x3] =	sbarrier.arrive $0xFFFF;
	s2 =	simm.s32 @!p0 $0x1C02  }
0x5c: {  	[timem:s3], [sflag:s2] =	dma.local @!p0 [hbm:s0], s1  }
0x5d: {  	s0 =	simm.s32 @!p0 $0x2  }
0x5e: {  	_ =	swait.ge @!p0 [sflag:s0], s1  }
0x5f: {  	s1 =	ssub.s32 @!p0 $0x0, s1;
	[sflag:s0] =	ssyncset.done @!p0 $0x0  }
0x60: {  	[sflag:s0] =	ssyncadd.s32 @!p0 s1  }
0x61: {  	[bflag:$0x3] =	sbarrier.arrive $0xFFFF  }
0x62: {  	_ =	shalt  }

// kernel: kernel.14.cloned.1.call-start
scs
__scs_entry_jumppad:
0x0: {  	(pc) =	sbr.rel $0x88, $3  }
0x1: {  	(tag) =	ssettag $0x0;
	lr =	simm.s32 $0x1  }
0x2: {  	[smem:$0x3F9B] =	sst lr;
	_ =	strace $0xD0000000  }
0x3: {  	_ = 	snop  }
0x4: {  	_ = 	snop  }
0x5: {  	_ = 	snop  }
0x6: {  	_ = 	snop  }
0x7: {  	_ = 	snop  }
__scs_overlays_trampoline_lowered:
0x8: {  	[smem:$0x3FAA] =	sst s0  }
0x9: {  	[smem:$0x3FAB] =	sst s1  }
0xa: {  	[smem:$0x3FAC] =	sst s2  }
0xb: {  	[smem:$0x3FAD] =	sst s3  }
0xc: {  	[smem:$0x3FAE] =	sst s4  }
0xd: {  	[smem:$0x3FAF] =	sst s5  }
0xe: {  	[smem:$0x3FB0] =	sst s6  }
0xf: {  	[smem:$0x3FB1] =	sst s7  }
0x10: {  	[smem:$0x3FB2] =	sst s8  }
0x11: {  	[smem:$0x3FB3] =	sst s9;
	s0 =	simm.s32 @!p0 $0x0  }
0x12: {  	s1 =	sld [smem:$0x3F99];
	s0 =	simm.s32 @p0 $0x1  }
0x13: {  	[smem:$0x3FB4] =	sst s0;
	s0 =	simm.s32 @!p1 $0x0  }
0x14: {  	s2 =	sld [smem:$0x3F98];
	s0 =	simm.s32 @p1 $0x1  }
0x15: {  	[smem:$0x3FB5] =	sst s0;
	s0 =	simm.s32 @!p2 $0x0  }
0x16: {  	s3 =	sld [smem:$0x3FDB];
	s0 =	simm.s32 @p2 $0x1  }
0x17: {  	s4 =	simm.s32 $0x1BF5;
	[smem:$0x3FB7] =	sst s0  }
0x18: {  	s0 =	sld [smem:$0x3F9A];
	_ =	swait.ge [sflag:s4], $0x0  }
0x19: {  	s7 =	sld [smem:$0x3F9B]  }
0x1a: {  	s8 =	sadd.s32 $0xFFFFE003, lr  }
0x1b: {  	s9 =	sadd.s32 $0xFFFFFEF7, lr;
	s5 =	simm.s32 $0xFFFFFFFF;
	p2 =	slt.u32 s8, $0xFFFFF086  }
0x1c: {  	p1 =	slt.u32 s9, $0xF7A;
	s5 =	simm.s32 @!p2 $0x0  }
0x1d: {  	s5 =	simm.s32 @p1 $0x1;
	p0 =	seq.s32 s7, s2  }
0x1e: {  	s7 =	smul.u32 @!p0 $0xF7A, s2;
	p2 =	seq.s32 @!p0 s5, $0x0  }
0x1f: {  	s9 =	smul.u32 $0xF7A, s1;
	s8 =	simm.s32 @!p0 $0x1BF5;
	p2 =	por !p2, p0  }
0x20: {  	[sflag:s8] =	ssyncset.s32 @!p0 $0xFFFFF086;
	s6 =	sadd.s32 @!p0 s3, s7;
	s7 =	simm.s32 @!p0 $0x108  }
0x21: {  	s3 =	sadd.s32 s3, s9;
	s6 =	sadd.s32 @!p0 $0x88, s6;
	s7 =	simm.s32 @p2 $0x1082  }
0x22: {  	[simem:s7], [sflag:s8] =	dma.local @!p0 [hbm:s6], $0xF7A  }
0x23: {  	s9 =	sor.u32 $0xD0000000, s2;
	s6 =	simm.s32 $0x108;
	_ =	swait.ge @!p0 [sflag:s8], $0x0  }
0x24: {  	s3 =	sadd.s32 $0x88, s3;
	s6 =	simm.s32 @!p1 $0x1082;
	[sflag:s4] =	ssyncset.s32 $0xFFFFF086  }
0x25: {  	[simem:s6], [sflag:s4] =	dma.local [hbm:s3], $0xF7A  }
0x26: {  	[smem:$0x3F9B] =	sst s1;
	(tag) =	ssettag s2;
	_ =	strace s9  }
0x27: {  	s1 =	sld [smem:$0x3FAB]  }
0x28: {  	s2 =	sld [smem:$0x3FAC]  }
0x29: {  	s4 =	sld [smem:$0x3FAE]  }
0x2a: {  	p0 =	seq.s32 s5, $0x0;
	s5 =	sld [smem:$0x3FAF]  }
0x2b: {  	s6 =	sld [smem:$0x3FB0]  }
0x2c: {  	s7 =	sld [smem:$0x3FB1]  }
0x2d: {  	s3 =	simm.s32 $0x108;
	s8 =	sld [smem:$0x3FB2]  }
0x2e: {  	s3 =	simm.s32 @!p0 $0x1082;
	s9 =	sld [smem:$0x3FB3]  }
0x2f: {  	lr =	sadd.s32 s0, s3;
	s0 =	sld [smem:$0x3FAA]  }
0x30: {  	s3 =	sld [smem:$0x3FAD]  }
0x31: {  	[smem:$0x3FB6] =	sst s10  }
0x32: {  	s10 =	sld [smem:$0x3FB4];
	_ =	sdelay $0x3  }
0x33: {  	p0 =	seq.s32 s10, $0x1;
	s10 =	sld [smem:$0x3FB6];
	_ =	sdelay $0x3  }
0x34: {  	[smem:$0x3FB6] =	sst s10  }
0x35: {  	s10 =	sld [smem:$0x3FB5];
	_ =	sdelay $0x3  }
0x36: {  	p1 =	seq.s32 s10, $0x1;
	s10 =	sld [smem:$0x3FB6];
	_ =	sdelay $0x3  }
0x37: {  	[smem:$0x3FB6] =	sst s10  }
0x38: {  	s10 =	sld [smem:$0x3FB7]  }
0x39: {  	_ = 	snop;
	(pc) =	sbr.ind lr, $3  }
0x3a: {  	_ = 	snop  }
0x3b: {  	_ = 	snop  }
0x3c: {  	p2 =	seq.s32 s10, $0x1;
	s10 =	sld [smem:$0x3FB6]  }
0x3d: {  	_ =	shalt  }
0x3e: {  	_ =	shalt  }
0x3f: {  	_ =	shalt  }
0x40: {  	_ =	shalt  }
0x41: {  	_ =	shalt  }
0x42: {  	_ =	shalt  }
0x43: {  	_ =	shalt  }
0x44: {  	_ =	shalt  }
0x45: {  	_ =	shalt  }
0x46: {  	_ =	shalt  }
0x47: {  	_ =	shalt  }
0x48: {  	_ =	shalt  }
0x49: {  	_ =	shalt  }
0x4a: {  	_ =	shalt  }
0x4b: {  	_ =	shalt  }
0x4c: {  	_ =	shalt  }
0x4d: {  	_ =	shalt  }
0x4e: {  	_ =	shalt  }
0x4f: {  	_ =	shalt  }
0x50: {  	_ =	shalt  }
0x51: {  	_ =	shalt  }
0x52: {  	_ =	shalt  }
0x53: {  	_ =	shalt  }
0x54: {  	_ =	shalt  }
0x55: {  	_ =	shalt  }
0x56: {  	_ =	shalt  }
0x57: {  	_ =	shalt  }
0x58: {  	_ =	shalt  }
0x59: {  	_ =	shalt  }
0x5a: {  	_ =	shalt  }
0x5b: {  	_ =	shalt  }
0x5c: {  	_ =	shalt  }
0x5d: {  	_ =	shalt  }
0x5e: {  	_ =	shalt  }
0x5f: {  	_ =	shalt  }
0x60: {  	_ =	shalt  }
0x61: {  	_ =	shalt  }
0x62: {  	_ =	shalt  }
0x63: {  	_ =	shalt  }
0x64: {  	_ =	shalt  }
0x65: {  	_ =	shalt  }
0x66: {  	_ =	shalt  }
0x67: {  	_ =	shalt  }
0x68: {  	_ =	shalt  }
0x69: {  	_ =	shalt  }
0x6a: {  	_ =	shalt  }
0x6b: {  	_ =	shalt  }
0x6c: {  	_ =	shalt  }
0x6d: {  	_ =	shalt  }
0x6e: {  	_ =	shalt  }
0x6f: {  	_ =	shalt  }
0x70: {  	_ =	shalt  }
0x71: {  	_ =	shalt  }
0x72: {  	_ =	shalt  }
0x73: {  	_ =	shalt  }
0x74: {  	_ =	shalt  }
0x75: {  	_ =	shalt  }
0x76: {  	_ =	shalt  }
0x77: {  	_ =	shalt  }
0x78: {  	_ =	shalt  }
0x79: {  	_ =	shalt  }
0x7a: {  	_ =	shalt  }
0x7b: {  	_ =	shalt  }
0x7c: {  	_ =	shalt  }
0x7d: {  	_ =	shalt  }
0x7e: {  	_ =	shalt  }
0x7f: {  	_ =	shalt  }
0x80: {  	_ =	shalt  }
0x81: {  	_ =	shalt  }
0x82: {  	_ =	shalt  }
0x83: {  	_ =	shalt  }
0x84: {  	_ =	shalt  }
0x85: {  	_ =	shalt  }
0x86: {  	_ =	shalt  }
0x87: {  	_ =	shalt  }
.Lfunc_end0:
.L_simem_size_0:
called_computation.2_lowered:
.L_overlay_start_0:
0x88: {  	s2 =	sld [smem:$0x3FD9]  }
0x89: {  	s3 =	sld [smem:$0x3FFE];
	_ =	sdelay $0x1  }
0x8a: {  	s1 =	srdreg.scid  }
0x8b: {  	s0 =	sand.u32 $0x1, s1  }
0x8c: {  	s16 =	sshll.u32 s0, $0xA;
	s2 =	sadd.s32 s3, s2  }
0x8d: {  	s2 =	sadd.s32 s2, s16  }
0x8e: {  	[smem:$0x3FC2] =	sst s2  }
0x8f: {  	_ = 	snop  }
0x90: {  	(tm) =	ssettm $0x1  }
0x91: {  	s17 =	sld [smem:$0x3FFB];
	_ =	sdelay $0x3  }
0x92: {  	_ =	strace s17  }
0x93: {  	s2 =	sld [smem:$0x3FFC];
	_ =	sdelay $0x3  }
0x94: {  	_ =	strace s2  }
0x95: {  	s2 =	sld [smem:$0x3FFD];
	_ =	sdelay $0x3  }
0x96: {  	_ =	strace s2  }
0x97: {  	_ =	strace $0x8FFFFFFF  }
0x98: {  	s18 =	sld [smem:$0x3FDB];
	_ =	sdelay $0x1  }
0x99: {  	s19 =	simm.s32 $_scs_section_size  }
0x9a: {  	s4 =	simm.s32 $_size__tile_overlayer_lowered;
	s5 =	simm.s32 $_tile_overlayer_lowered  }
0x9b: {  	s22 =	simm.s32 $0x1BFF;
	s21 =	sshll.u32 s5, $0x1;
	s2 =	sadd.s32 s19, s18  }
0x9c: {  	s6 =	simm.s32 $0x0;
	s20 =	sshll.u32 s4, $0x1;
	s4 =	sadd.s32 s21, s2  }
0x9d: {  	[timem:s6], [sflag:s22] =	dma.local [hbm:s4], s20  }
0x9e: {  	_ =	swait.ge [sflag:s22], s20  }
0x9f: {  	s3 =	ssub.s32 $0x0, s20;
	[sflag:s22] =	ssyncset.done $0x0  }
0xa0: {  	[sflag:s22] =	ssyncadd.s32 s3;
	_ =	sdelay $0x1  }
0xa1: {  	s23 =	simm.s32 $0x1B8B  }
0xa2: {  	_ =	swait.ge [sflag:s23], $0x1  }
0xa3: {  	[sflag:s23] =	ssyncset.done $0x0  }
0xa4: {  	s25 =	simm.s32 $0x1B8E;
	s24 =	sld [smem:$0x3FFE];
	[sflag:s23] =	ssyncadd.s32 $0xFFFFFFFF  }
0xa5: {  	s26 =	simm.s32 $execute0_lowered;
	[smem:$0x3FD2] =	sst s25  }
0xa6: {  	s4 =	sshll.u32 s26, $0x1;
	_ =	strace $0x8000004C;
	[dreg:$0x1] =	wrdreg $0xFFFFFFFF  }
0xa7: {  	s28 =	simm.s32 $_size_execute0_lowered;
	s2 =	sadd.s32 s2, s4;
	[dreg:$0x0] =	wrdreg $0x0  }
0xa8: {  	s4 =	sshll.u32 s28, $0x1;
	[dreg:$0x2] =	wrdreg s2  }
0xa9: {  	[dreg:$0x3] =	wrdreg s4  }
0xaa: {  	[dreg:$0x4] =	wrdreg $0xC0  }
0xab: {  	_ =	task [dreg:s6], $0x5FFFF  }
0xac: {  	[dreg:$0x1] =	wrdreg $0xFFFFFFFF  }
0xad: {  	[dreg:$0x0] =	wrdreg $0x60  }
0xae: {  	[dreg:$0x2] =	wrdreg s24  }
0xaf: {  	[dreg:$0x3] =	wrdreg $0x120000  }
0xb0: {  	[dreg:$0x4] =	wrdreg $0x9  }
0xb1: {  	_ =	task.clear_ibuf [dreg:s6], $0x5FFFF;
	_ =	strace $0x9000004C  }
0xb2: {  	s29 =	simm.s32 $0x9;
	_ =	strace $0x8000004E  }
0xb3: {  	_ =	swait.ge [sflag:s29], $0x1  }
0xb4: {  	[sflag:s29] =	ssyncadd.s32 $0xFFFFFFFF  }
0xb5: {  	_ =	strace $0x9000004E  }
0xb6: {  	_ =	sfence  }
0xb7: {  	s30 =	sld [smem:$0x0];
	_ =	sdelay $0x2  }
0xb8: {  	s31 =	sshll.u32 s1, $0xD;
	s1 =	sshrl.u32 s1, $0x2  }
0xb9: {  	s3 =	sand.u32 $0x4000, s31;
	s1 =	sadd.s32 s1, s30  }
0xba: {  	s0 =	sor.u32 s3, s0;
	s1 =	sshll.u32 s1, $0x11  }
0xbb: {  	s0 =	sor.u32 s1, s0  }
0xbc: {  	s0 =	sadd.s32 $0x8F2B, s0  }
0xbd: {  	[sflag:s0] =	ssyncadd.remote.s32 $0x1  }
0xbe: {  	_ =	sfence.sel $0xFFFF  }
0xbf: {  	[dreg:$0x0] =	wrdreg $0xFFFFFFFF;
	(pc) =	sbr.abs _section_cstart, $3  }
0xc0: {  	[dreg:$0x1] =	wrdreg $0xFFFFFFFF  }
0xc1: {  	_ =	task.clear_ibuf [dreg:s6], $0x2FFFF;
	_ =	strace $0x9FFFFFFF  }
0xc2: {  	(tm) =	ssettm $0x7FFFFFFF  }
0xc3: {  	_ =	shalt  }
tec
execute0_lowered:
.L_overlay_start_1:
0x0: {  	(tag) =	ssettag $0x1  }
0x1: {  	s5 =	rddreg [dreg:$0x0];
	s0 =	stileid.u32  }
0x2: {  	s1 =	srdreg.scid;
	s2 =	rddreg [dreg:$0x1];
	s3 =	simm.s32 $0x0  }
0x3: {  	s14 =	simm.s32 $0xE000;
	s15 =	simm.s32 $0x80;
	s6 =	smul.u32 $0x5000, s0  }
0x4: {  	s16 =	simm.s32 $0xA000;
	s17 =	simm.s32 $0x1;
	s11 =	smul.u32 $0xA000, s0  }
0x5: {  	s7 =	sand.u32 $0x1, s1;
	s1 =	rddreg [dreg:$0x2];
	s26 =	smul.u32 $0x28000, s0  }
0x6: {  	s20 =	simm.s32 $0x0;
	[smem:$0x7FF] =	sst s3;
	s8 =	smul.u32 $0x50000, s7  }
0x7: {  	s4 =	sadd.s32 $0x6F600, s5;
	s18 =	sshll.u32 s0, $0x6;
	s9 =	smul.u32 $0xA0000, s7  }
0x8: {  	_ =	strace $0x8000004D;
	s7 =	ssub.s32 $0x2, s7;
	s18 =	sor.u32 $0x1C02, s18  }
0x9: {  	s10 =	sshrl.u32 s6, $0x3;
	s30 =	sshrl.u32 s7, $0x1;
	s31 =	sshrl.u32 s26, $0x2  }
0xa: {  	s10 =	sadd.s32 s10, s5;
	s6 =	sadd.s32 s6, s8;
	s25 =	sadd.s32 s11, s9  }
0xb: {  	s13 =	ssub.s32 s7, s30;
	s6 =	sshrl.u32 s6, $0x3;
	s29 =	sshrl.u32 s25, $0x3  }
0xc: {  	s28 =	sadd.s32 s6, s5;
	s12 =	sadd.s32 s29, s5;
	s5 =	sadd.s32 $0x51600, s10  }
0xd: {  	s6 =	sadd.s32 s31, s2;
	s10 =	smax.u32 s13, $0x1;
	s13 =	simm.s32 $0x5000  }
0xe: {  	s7 =	sadd.s32 $0x5B600, s28;
	s8 =	sadd.s32 $0x8000, s6;
	s9 =	sadd.s32 $0x96800, s12  }
0xf: {  	v0 =	vimm.f32 $0.0e+00;
	s11 =	sadd.s32 $0x4000, s6;
	s12 =	simm.s32 $0x2;
	s19 =	sshrl.u32 s6, $0x3  }
.LBB2_1:
0x10: {  	[tilespmem:s3], [sflag:$0x2] =	stream.linear.gather [hbm4b:s5+s3], $0x4F00, $0x38;
	[tilespmem:$0x1C400] =	vst v63  }
0x11: {  	_ =	swait.ge [sflag:s12], $0x4F00  }
0x12: {  	[sflag:s12] =	ssyncset.done $0x0  }
0x13: {  	[sflag:s12] =	ssyncadd.s32 $0xFFFFB100  }
0x14: {  	[tilespmem:s13], [sflag:$0x2] =	stream.linear.gather [hbm4b:s7+s3], $0x4F00, $0x38;
	[tilespmem:$0x1C400] =	vst v63  }
0x15: {  	_ =	swait.ge [sflag:s12], $0x4F00  }
0x16: {  	[sflag:s12] =	ssyncset.done $0x0  }
0x17: {  	s21 =	simm.s32 $0x0;
	s22 =	simm.s32 $0x200;
	[sflag:s12] =	ssyncadd.s32 $0xFFFFB100  }
.LBB2_2:
0x18: {  	p0 =	sne.s32 s22, $0xFE00;
	[tilespmem:s21+$0xE070] =	vst v0  }
0x19: {  	[tilespmem:s21+$0xE000] =	vst v0  }
0x1a: {  	[tilespmem:s21+$0xE010] =	vst v0  }
.Ltmp0:
0x1b: {  	[tilespmem:s21+$0xE020] =	vst v0;
	(pc) =	sbr.rel @p0 .LBB2_2-.Ltmp0, $4  }
0x1c: {  	[tilespmem:s21+$0xE030] =	vst v0  }
0x1d: {  	[tilespmem:s21+$0xE040] =	vst v0  }
0x1e: {  	[tilespmem:s21+$0xE050] =	vst v0  }
0x1f: {  	[tilespmem:s21+$0xE060] =	vst v0;
	s21 =	sshra.s32 s22, $0x2;
	s22 =	sadd.s32 $0x200, s22  }
0x20: {  	[tilespmem:s21+$0xE070] =	vst v0  }
0x21: {  	[tilespmem:s21+$0xE000] =	vst v0  }
0x22: {  	[tilespmem:s21+$0xE010] =	vst v0  }
0x23: {  	[tilespmem:s21+$0xE020] =	vst v0  }
0x24: {  	[tilespmem:s21+$0xE030] =	vst v0  }
0x25: {  	[tilespmem:s21+$0xE040] =	vst v0  }
0x26: {  	[tilespmem:s21+$0xE050] =	vst v0  }
0x27: {  	[tilespmem:s21+$0xE060] =	vst v0  }
0x28: {  	[spmem:s6] =	stream.linear.scatter [tilespmem:s14], [sflag:$0x2], $0x4000, $0x38;
	[tilespmem:$0x1C400] =	vst v63  }
0x29: {  	_ =	swait.ge [sflag:s12], $0x4000  }
0x2a: {  	[sflag:s12] =	ssyncset.done $0x0  }
0x2b: {  	[sflag:s12] =	ssyncadd.s32 $0xFFFFC000  }
0x2c: {  	[spmem:s11] =	stream.linear.scatter [tilespmem:s14], [sflag:$0x2], $0x4000, $0x38;
	[tilespmem:$0x1C400] =	vst v63  }
0x2d: {  	_ =	swait.ge [sflag:s12], $0x4000  }
0x2e: {  	[sflag:s12] =	ssyncset.done $0x0  }
0x2f: {  	[sflag:s12] =	ssyncadd.s32 $0xFFFFC000  }
0x30: {  	[spmem:s8] =	stream.linear.scatter [tilespmem:s14], [sflag:$0x2], $0x2000, $0x38;
	[tilespmem:$0x1C400] =	vst v63  }
0x31: {  	_ =	swait.ge [sflag:s12], $0x2000  }
0x32: {  	[sflag:s12] =	ssyncset.done $0x0  }
0x33: {  	[sflag:s12] =	ssyncadd.s32 $0xFFFFE000  }
0x34: {  	s30 =	simm.s32 $0x0;
	[bflag:$0x0] =	sbarrier.arrive $0xFFFF  }
0x35: {  	[tilespmem:s16], [sflag:$0x1] =	stream.indirect.gather [hbm4b:s4+s15], $0x80, s30, s15, $0xb8;
	[tilespmem:$0x1C400] =	vst v63  }
0x36: {  	_ =	swait.ge [sflag:s17], $0x4000  }
0x37: {  	[sflag:s17] =	ssyncset.done $0x0  }
0x38: {  	s31 =	simm.s32 $0x5000;
	[sflag:s17] =	ssyncadd.s32 $0xFFFFC000  }
0x39: {  	[spmem:s2] =	stream.indirect.scatter.add.f32 [tilespmem:s16], [sflag:$0x2], $0x80, s31, s15, $0xb8;
	[tilespmem:$0x1C400] =	vst v63  }
0x3a: {  	_ =	swait.ge [sflag:s12], $0x4000  }
0x3b: {  	s21 =	simm.s32 $0x200;
	s22 =	simm.s32 $0x400;
	[sflag:s12] =	ssyncset.done $0x0  }
.LBB2_4:
0x3c: {  	s23 =	sshra.s32 s21, $0x2  }
0x3d: {  	[sflag:s12] =	ssyncadd.s32 $0xFFFFC000;
	s21 =	smov.u32 s22;
	s24 =	sadd.s32 $0x200, s22  }
0x3e: {  	[tilespmem:s16], [sflag:$0x1] =	stream.indirect.gather [hbm4b:s4+s15], $0x80, s23, s15, $0xb8;
	[tilespmem:$0x1C400] =	vst v63  }
0x3f: {  	p0 =	sne.s32 s22, $0x13A00;
	_ =	swait.ge [sflag:s17], $0x4000  }
.Ltmp1:
0x40: {  	[sflag:s17] =	ssyncset.done $0x0;
	(pc) =	sbr.rel @p0 .LBB2_4-.Ltmp1, $4  }
0x41: {  	s22 =	sadd.s32 $0x5000, s23;
	[sflag:s17] =	ssyncadd.s32 $0xFFFFC000  }
0x42: {  	[spmem:s2] =	stream.indirect.scatter.add.f32 [tilespmem:s16], [sflag:$0x2], $0x80, s22, s15, $0xb8;
	[tilespmem:$0x1C400] =	vst v63  }
0x43: {  	_ =	swait.ge [sflag:s12], $0x4000  }
0x44: {  	s22 =	smov.u32 s24;
	[sflag:s12] =	ssyncset.done $0x0  }
0x45: {  	s21 =	sshra.s32 s21, $0x2;
	[sflag:s12] =	ssyncadd.s32 $0xFFFFC000  }
0x46: {  	[tilespmem:s16], [sflag:$0x1] =	stream.indirect.gather [hbm4b:s4+s15], $0x80, s21, s15, $0xb8;
	[tilespmem:$0x1C400] =	vst v63  }
0x47: {  	_ =	swait.ge [sflag:s17], $0x4000  }
0x48: {  	[sflag:s17] =	ssyncset.done $0x0  }
0x49: {  	s21 =	sadd.s32 $0x5000, s21;
	[sflag:s17] =	ssyncadd.s32 $0xFFFFC000  }
0x4a: {  	[spmem:s2] =	stream.indirect.scatter.add.f32 [tilespmem:s16], [sflag:$0x2], $0x80, s21, s15, $0xb8;
	[tilespmem:$0x1C400] =	vst v63  }
0x4b: {  	_ =	swait.ge [sflag:s12], $0x4000  }
0x4c: {  	s20 =	sadd.s32 $0x1, s20;
	[sflag:s12] =	ssyncset.done $0x0  }
0x4d: {  	p0 =	sne.s32 s20, s10;
	[sflag:s12] =	ssyncadd.s32 $0xFFFFC000  }
.Ltmp2:
0x4e: {  	[bflag:$0x0] =	sbarrier.arrive $0xFFFF;
	(pc) =	sbr.rel @p0 .LBB2_1-.Ltmp2, $4  }
0x4f: {  	[hbm:s9], [sflag:s18] =	dma.local [spmem:s19], $0x1400  }
0x50: {  	_ =	swait.ge [sflag:s12], $0x1400  }
0x51: {  	[sflag:s12] =	ssyncset.done $0x0  }
0x52: {  	[sflag:s12] =	ssyncadd.s32 $0xFFFFEC00  }
0x53: {  	_ =	sfence.sel $0x180000  }
0x54: {  	[bflag:$0x0] =	sbarrier.arrive $0xFFFF  }
0x55: {  	p0 =	sne.s32 s0, $0x0;
	_ =	strace $0x9000004D  }
0x56: {  	s0 =	sadd.s32 @!p0 $0x100000, s1;
	[bflag:$0x2] =	sbarrier.arrive $0xFFFF  }
0x57: {  	[sflag:s0] =	ssyncadd.tile.s32 @!p0 $0x1;
	_ =	shalt  }
.Lfunc_end2:
_tile_overlayer_lowered:
.L_overlay_start_2:
0x58: {  	(tag) =	ssettag $0x2  }
0x59: {  	s0 =	rddreg [dreg:$0x0];
	s2 =	stileid.u32  }
0x5a: {  	s1 =	rddreg [dreg:$0x1];
	p0 =	sne.s32 s2, $0x0  }
0x5b: {  	s3 =	rddreg [dreg:$0x2];
	[bflag:$0x3] =	sbarrier.arrive $0xFFFF;
	s2 =	simm.s32 @!p0 $0x1C02  }
0x5c: {  	[timem:s3], [sflag:s2] =	dma.local @!p0 [hbm:s0], s1  }
0x5d: {  	s0 =	simm.s32 @!p0 $0x2  }
0x5e: {  	_ =	swait.ge @!p0 [sflag:s0], s1  }
0x5f: {  	s1 =	ssub.s32 @!p0 $0x0, s1;
	[sflag:s0] =	ssyncset.done @!p0 $0x0  }
0x60: {  	[sflag:s0] =	ssyncadd.s32 @!p0 s1  }
0x61: {  	[bflag:$0x3] =	sbarrier.arrive $0xFFFF  }
0x62: {  	_ =	shalt  }

// kernel: kernel.8.cloned.1.call-start
scs
__scs_entry_jumppad:
0x0: {  	(pc) =	sbr.rel $0x88, $3  }
0x1: {  	(tag) =	ssettag $0x0;
	lr =	simm.s32 $0x1  }
0x2: {  	[smem:$0x3F9B] =	sst lr;
	_ =	strace $0xD0000000  }
0x3: {  	_ = 	snop  }
0x4: {  	_ = 	snop  }
0x5: {  	_ = 	snop  }
0x6: {  	_ = 	snop  }
0x7: {  	_ = 	snop  }
__scs_overlays_trampoline_lowered:
0x8: {  	[smem:$0x3FAA] =	sst s0  }
0x9: {  	[smem:$0x3FAB] =	sst s1  }
0xa: {  	[smem:$0x3FAC] =	sst s2  }
0xb: {  	[smem:$0x3FAD] =	sst s3  }
0xc: {  	[smem:$0x3FAE] =	sst s4  }
0xd: {  	[smem:$0x3FAF] =	sst s5  }
0xe: {  	[smem:$0x3FB0] =	sst s6  }
0xf: {  	[smem:$0x3FB1] =	sst s7  }
0x10: {  	[smem:$0x3FB2] =	sst s8  }
0x11: {  	[smem:$0x3FB3] =	sst s9;
	s0 =	simm.s32 @!p0 $0x0  }
0x12: {  	s1 =	sld [smem:$0x3F99];
	s0 =	simm.s32 @p0 $0x1  }
0x13: {  	[smem:$0x3FB4] =	sst s0;
	s0 =	simm.s32 @!p1 $0x0  }
0x14: {  	s2 =	sld [smem:$0x3F98];
	s0 =	simm.s32 @p1 $0x1  }
0x15: {  	[smem:$0x3FB5] =	sst s0;
	s0 =	simm.s32 @!p2 $0x0  }
0x16: {  	s3 =	sld [smem:$0x3FDB];
	s0 =	simm.s32 @p2 $0x1  }
0x17: {  	s4 =	simm.s32 $0x1BF5;
	[smem:$0x3FB7] =	sst s0  }
0x18: {  	s0 =	sld [smem:$0x3F9A];
	_ =	swait.ge [sflag:s4], $0x0  }
0x19: {  	s7 =	sld [smem:$0x3F9B]  }
0x1a: {  	s8 =	sadd.s32 $0xFFFFE003, lr  }
0x1b: {  	s9 =	sadd.s32 $0xFFFFFEF7, lr;
	s5 =	simm.s32 $0xFFFFFFFF;
	p2 =	slt.u32 s8, $0xFFFFF086  }
0x1c: {  	p1 =	slt.u32 s9, $0xF7A;
	s5 =	simm.s32 @!p2 $0x0  }
0x1d: {  	s5 =	simm.s32 @p1 $0x1;
	p0 =	seq.s32 s7, s2  }
0x1e: {  	s7 =	smul.u32 @!p0 $0xF7A, s2;
	p2 =	seq.s32 @!p0 s5, $0x0  }
0x1f: {  	s9 =	smul.u32 $0xF7A, s1;
	s8 =	simm.s32 @!p0 $0x1BF5;
	p2 =	por !p2, p0  }
0x20: {  	[sflag:s8] =	ssyncset.s32 @!p0 $0xFFFFF086;
	s6 =	sadd.s32 @!p0 s3, s7;
	s7 =	simm.s32 @!p0 $0x108  }
0x21: {  	s3 =	sadd.s32 s3, s9;
	s6 =	sadd.s32 @!p0 $0x88, s6;
	s7 =	simm.s32 @p2 $0x1082  }
0x22: {  	[simem:s7], [sflag:s8] =	dma.local @!p0 [hbm:s6], $0xF7A  }
0x23: {  	s9 =	sor.u32 $0xD0000000, s2;
	s6 =	simm.s32 $0x108;
	_ =	swait.ge @!p0 [sflag:s8], $0x0  }
0x24: {  	s3 =	sadd.s32 $0x88, s3;
	s6 =	simm.s32 @!p1 $0x1082;
	[sflag:s4] =	ssyncset.s32 $0xFFFFF086  }
0x25: {  	[simem:s6], [sflag:s4] =	dma.local [hbm:s3], $0xF7A  }
0x26: {  	[smem:$0x3F9B] =	sst s1;
	(tag) =	ssettag s2;
	_ =	strace s9  }
0x27: {  	s1 =	sld [smem:$0x3FAB]  }
0x28: {  	s2 =	sld [smem:$0x3FAC]  }
0x29: {  	s4 =	sld [smem:$0x3FAE]  }
0x2a: {  	p0 =	seq.s32 s5, $0x0;
	s5 =	sld [smem:$0x3FAF]  }
0x2b: {  	s6 =	sld [smem:$0x3FB0]  }
0x2c: {  	s7 =	sld [smem:$0x3FB1]  }
0x2d: {  	s3 =	simm.s32 $0x108;
	s8 =	sld [smem:$0x3FB2]  }
0x2e: {  	s3 =	simm.s32 @!p0 $0x1082;
	s9 =	sld [smem:$0x3FB3]  }
0x2f: {  	lr =	sadd.s32 s0, s3;
	s0 =	sld [smem:$0x3FAA]  }
0x30: {  	s3 =	sld [smem:$0x3FAD]  }
0x31: {  	[smem:$0x3FB6] =	sst s10  }
0x32: {  	s10 =	sld [smem:$0x3FB4];
	_ =	sdelay $0x3  }
0x33: {  	p0 =	seq.s32 s10, $0x1;
	s10 =	sld [smem:$0x3FB6];
	_ =	sdelay $0x3  }
0x34: {  	[smem:$0x3FB6] =	sst s10  }
0x35: {  	s10 =	sld [smem:$0x3FB5];
	_ =	sdelay $0x3  }
0x36: {  	p1 =	seq.s32 s10, $0x1;
	s10 =	sld [smem:$0x3FB6];
	_ =	sdelay $0x3  }
0x37: {  	[smem:$0x3FB6] =	sst s10  }
0x38: {  	s10 =	sld [smem:$0x3FB7]  }
0x39: {  	_ = 	snop;
	(pc) =	sbr.ind lr, $3  }
0x3a: {  	_ = 	snop  }
0x3b: {  	_ = 	snop  }
0x3c: {  	p2 =	seq.s32 s10, $0x1;
	s10 =	sld [smem:$0x3FB6]  }
0x3d: {  	_ =	shalt  }
0x3e: {  	_ =	shalt  }
0x3f: {  	_ =	shalt  }
0x40: {  	_ =	shalt  }
0x41: {  	_ =	shalt  }
0x42: {  	_ =	shalt  }
0x43: {  	_ =	shalt  }
0x44: {  	_ =	shalt  }
0x45: {  	_ =	shalt  }
0x46: {  	_ =	shalt  }
0x47: {  	_ =	shalt  }
0x48: {  	_ =	shalt  }
0x49: {  	_ =	shalt  }
0x4a: {  	_ =	shalt  }
0x4b: {  	_ =	shalt  }
0x4c: {  	_ =	shalt  }
0x4d: {  	_ =	shalt  }
0x4e: {  	_ =	shalt  }
0x4f: {  	_ =	shalt  }
0x50: {  	_ =	shalt  }
0x51: {  	_ =	shalt  }
0x52: {  	_ =	shalt  }
0x53: {  	_ =	shalt  }
0x54: {  	_ =	shalt  }
0x55: {  	_ =	shalt  }
0x56: {  	_ =	shalt  }
0x57: {  	_ =	shalt  }
0x58: {  	_ =	shalt  }
0x59: {  	_ =	shalt  }
0x5a: {  	_ =	shalt  }
0x5b: {  	_ =	shalt  }
0x5c: {  	_ =	shalt  }
0x5d: {  	_ =	shalt  }
0x5e: {  	_ =	shalt  }
0x5f: {  	_ =	shalt  }
0x60: {  	_ =	shalt  }
0x61: {  	_ =	shalt  }
0x62: {  	_ =	shalt  }
0x63: {  	_ =	shalt  }
0x64: {  	_ =	shalt  }
0x65: {  	_ =	shalt  }
0x66: {  	_ =	shalt  }
0x67: {  	_ =	shalt  }
0x68: {  	_ =	shalt  }
0x69: {  	_ =	shalt  }
0x6a: {  	_ =	shalt  }
0x6b: {  	_ =	shalt  }
0x6c: {  	_ =	shalt  }
0x6d: {  	_ =	shalt  }
0x6e: {  	_ =	shalt  }
0x6f: {  	_ =	shalt  }
0x70: {  	_ =	shalt  }
0x71: {  	_ =	shalt  }
0x72: {  	_ =	shalt  }
0x73: {  	_ =	shalt  }
0x74: {  	_ =	shalt  }
0x75: {  	_ =	shalt  }
0x76: {  	_ =	shalt  }
0x77: {  	_ =	shalt  }
0x78: {  	_ =	shalt  }
0x79: {  	_ =	shalt  }
0x7a: {  	_ =	shalt  }
0x7b: {  	_ =	shalt  }
0x7c: {  	_ =	shalt  }
0x7d: {  	_ =	shalt  }
0x7e: {  	_ =	shalt  }
0x7f: {  	_ =	shalt  }
0x80: {  	_ =	shalt  }
0x81: {  	_ =	shalt  }
0x82: {  	_ =	shalt  }
0x83: {  	_ =	shalt  }
0x84: {  	_ =	shalt  }
0x85: {  	_ =	shalt  }
0x86: {  	_ =	shalt  }
0x87: {  	_ =	shalt  }
.Lfunc_end0:
.L_simem_size_0:
called_computation_lowered:
.L_overlay_start_0:
0x88: {  	s2 =	sld [smem:$0x3FD9]  }
0x89: {  	s3 =	sld [smem:$0x3FFE];
	_ =	sdelay $0x1  }
0x8a: {  	s1 =	srdreg.scid  }
0x8b: {  	s0 =	sand.u32 $0x1, s1  }
0x8c: {  	s17 =	sshll.u32 s0, $0xA;
	s2 =	sadd.s32 s3, s2  }
0x8d: {  	s2 =	sadd.s32 s2, s17  }
0x8e: {  	[smem:$0x3FC2] =	sst s2  }
0x8f: {  	_ = 	snop  }
0x90: {  	s2 =	sld [smem:$0x3FD0];
	(tm) =	ssettm $0x1  }
0x91: {  	s18 =	sld [smem:$0x3FFB];
	_ =	sdelay $0x3  }
0x92: {  	_ =	strace s18  }
0x93: {  	s3 =	sld [smem:$0x3FFC];
	_ =	sdelay $0x3  }
0x94: {  	_ =	strace s3  }
0x95: {  	s3 =	sld [smem:$0x3FFD];
	_ =	sdelay $0x3  }
0x96: {  	_ =	strace s3  }
0x97: {  	_ =	strace $0x8FFFFFFF  }
0x98: {  	s19 =	sld [smem:$0x3FDB];
	_ =	sdelay $0x1  }
0x99: {  	s4 =	simm.s32 $_scs_section_size  }
0x9a: {  	s5 =	simm.s32 $_size__tile_overlayer_lowered;
	s6 =	simm.s32 $_tile_overlayer_lowered  }
0x9b: {  	s22 =	simm.s32 $0x1BFF;
	s21 =	sshll.u32 s6, $0x1;
	s3 =	sadd.s32 s4, s19  }
0x9c: {  	s7 =	simm.s32 $0x0;
	s20 =	sshll.u32 s5, $0x1;
	s5 =	sadd.s32 s21, s3  }
0x9d: {  	[timem:s7], [sflag:s22] =	dma.local [hbm:s5], s20  }
0x9e: {  	_ =	swait.ge [sflag:s22], s20  }
0x9f: {  	s4 =	ssub.s32 $0x0, s20;
	[sflag:s22] =	ssyncset.done $0x0  }
0xa0: {  	[sflag:s22] =	ssyncadd.s32 s4;
	_ =	sdelay $0x1  }
0xa1: {  	s23 =	simm.s32 $0x1B8B  }
0xa2: {  	_ =	swait.ge [sflag:s23], $0x1  }
0xa3: {  	[sflag:s23] =	ssyncset.done $0x0  }
0xa4: {  	s25 =	simm.s32 $0x1B8E;
	s24 =	sld [smem:$0x3FFE];
	[sflag:s23] =	ssyncadd.s32 $0xFFFFFFFF  }
0xa5: {  	s26 =	simm.s32 $execute0_lowered;
	[smem:$0x3FD2] =	sst s25  }
0xa6: {  	s5 =	sshll.u32 s26, $0x1;
	_ =	strace $0x80000046;
	[dreg:$0x1] =	wrdreg $0xFFFFFFFF  }
0xa7: {  	s28 =	simm.s32 $_size_execute0_lowered;
	s3 =	sadd.s32 s3, s5;
	[dreg:$0x0] =	wrdreg $0x0  }
0xa8: {  	s5 =	sshll.u32 s28, $0x1;
	[dreg:$0x2] =	wrdreg s3  }
0xa9: {  	[dreg:$0x3] =	wrdreg s5  }
0xaa: {  	[dreg:$0x4] =	wrdreg $0xC0  }
0xab: {  	_ =	task [dreg:s7], $0x5FFFF  }
0xac: {  	[dreg:$0x1] =	wrdreg $0xFFFFFFFF  }
0xad: {  	[dreg:$0x0] =	wrdreg $0x60  }
0xae: {  	[dreg:$0x2] =	wrdreg s2  }
0xaf: {  	[dreg:$0x3] =	wrdreg s24  }
0xb0: {  	[dreg:$0x4] =	wrdreg $0x68000  }
0xb1: {  	[dreg:$0x5] =	wrdreg $0x9  }
0xb2: {  	_ =	task.clear_ibuf [dreg:s7], $0x6FFFF;
	_ =	strace $0x90000046  }
0xb3: {  	s29 =	simm.s32 $0x9;
	_ =	strace $0x80000048  }
0xb4: {  	_ =	swait.ge [sflag:s29], $0x1  }
0xb5: {  	[sflag:s29] =	ssyncadd.s32 $0xFFFFFFFF  }
0xb6: {  	_ =	strace $0x90000048  }
0xb7: {  	_ =	sfence  }
0xb8: {  	s30 =	sld [smem:$0x0];
	_ =	sdelay $0x2  }
0xb9: {  	s31 =	sshll.u32 s1, $0xD;
	s1 =	sshrl.u32 s1, $0x2  }
0xba: {  	s3 =	sand.u32 $0x4000, s31;
	s1 =	sadd.s32 s1, s30  }
0xbb: {  	s0 =	sor.u32 s3, s0;
	s1 =	sshll.u32 s1, $0x11  }
0xbc: {  	s0 =	sor.u32 s1, s0  }
0xbd: {  	s0 =	sadd.s32 $0x8F2B, s0  }
0xbe: {  	[sflag:s0] =	ssyncadd.remote.s32 $0x1  }
0xbf: {  	_ =	sfence.sel $0xFFFF  }
0xc0: {  	[dreg:$0x0] =	wrdreg $0xFFFFFFFF;
	(pc) =	sbr.abs _section_cstart, $3  }
0xc1: {  	[dreg:$0x1] =	wrdreg $0xFFFFFFFF  }
0xc2: {  	_ =	task.clear_ibuf [dreg:s7], $0x2FFFF;
	_ =	strace $0x9FFFFFFF  }
0xc3: {  	(tm) =	ssettm $0x7FFFFFFF  }
tec
execute0_lowered:
.L_overlay_start_1:
0x0: {  	(tag) =	ssettag $0x1  }
0x1: {  	s5 =	rddreg [dreg:$0x0]  }
0x2: {  	s4 =	rddreg [dreg:$0x1];
	s0 =	srdreg.scid  }
0x3: {  	s2 =	rddreg [dreg:$0x2];
	s1 =	stileid.u32  }
0x4: {  	s3 =	simm.s32 $0x0;
	s12 =	simm.s32 $0x1;
	s13 =	simm.s32 $0x2800  }
0x5: {  	s14 =	simm.s32 $0x80;
	s17 =	simm.s32 $0x0;
	s8 =	smul.u32 $0x13C00, s1  }
0x6: {  	s6 =	sand.u32 $0x1, s0;
	s0 =	rddreg [dreg:$0x3];
	s9 =	smul.u32 $0x4F000, s1  }
0x7: {  	[smem:$0x7FF] =	sst s3;
	s15 =	sshll.u32 s1, $0x6;
	s7 =	smul.u32 $0x13C000, s6  }
0x8: {  	s30 =	sshll.u32 s6, $0x4;
	_ =	strace $0x80000047;
	s6 =	ssub.s32 $0x2, s6  }
0x9: {  	s15 =	sor.u32 $0x1C01, s15;
	s7 =	sadd.s32 s8, s7;
	s8 =	sor.u32 s1, s30  }
0xa: {  	s9 =	sshrl.u32 s9, $0x2;
	s7 =	sshrl.u32 s7, $0x3;
	s8 =	smul.u32 $0x500, s8  }
0xb: {  	s10 =	sshrl.u32 s6, $0x1;
	s7 =	sadd.s32 s7, s4;
	s4 =	sadd.s32 s9, s2  }
0xc: {  	s31 =	ssub.s32 s6, s10;
	s5 =	sadd.s32 s5, s8;
	s6 =	sadd.s32 $0x10000, s4  }
0xd: {  	s7 =	sadd.s32 $0x2600, s7;
	s8 =	smax.u32 s31, $0x1;
	s9 =	sadd.s32 $0x4000, s4  }
0xe: {  	v0 =	vimm.f32 $0.0e+00;
	v1 =	vimm.f32 $1.000000000e+00;
	s10 =	sadd.s32 $0x8000, s4;
	s11 =	sadd.s32 $0xC000, s4;
	s16 =	sshrl.u32 s4, $0x3  }
.LBB2_1:
0xf: {  	[tilespmem:s3], [sflag:$0x1] =	stream.linear.gather [hbm4b:s5+s3], $0x2780, $0x38;
	[tilespmem:$0x1A400] =	vst v63  }
0x10: {  	_ =	swait.ge [sflag:s12], $0x2780  }
0x11: {  	[sflag:s12] =	ssyncset.done $0x0  }
0x12: {  	s18 =	simm.s32 $0x0;
	s19 =	simm.s32 $0x200;
	[sflag:s12] =	ssyncadd.s32 $0xFFFFD880  }
.LBB2_2:
0x13: {  	p0 =	sne.s32 s19, $0xFE00;
	[tilespmem:s18+$0x2870] =	vst v0  }
0x14: {  	[tilespmem:s18+$0x2800] =	vst v0  }
0x15: {  	[tilespmem:s18+$0x2810] =	vst v0  }
.Ltmp0:
0x16: {  	[tilespmem:s18+$0x2820] =	vst v0;
	(pc) =	sbr.rel @p0 .LBB2_2-.Ltmp0, $4  }
0x17: {  	[tilespmem:s18+$0x2830] =	vst v0  }
0x18: {  	[tilespmem:s18+$0x2840] =	vst v0  }
0x19: {  	[tilespmem:s18+$0x2850] =	vst v0  }
0x1a: {  	[tilespmem:s18+$0x2860] =	vst v0;
	s18 =	sshra.s32 s19, $0x2;
	s19 =	sadd.s32 $0x200, s19  }
0x1b: {  	[tilespmem:s18+$0x2870] =	vst v0  }
0x1c: {  	[tilespmem:s18+$0x2800] =	vst v0  }
0x1d: {  	[tilespmem:s18+$0x2810] =	vst v0  }
0x1e: {  	[tilespmem:s18+$0x2820] =	vst v0  }
0x1f: {  	[tilespmem:s18+$0x2830] =	vst v0  }
0x20: {  	[tilespmem:s18+$0x2840] =	vst v0  }
0x21: {  	[tilespmem:s18+$0x2850] =	vst v0  }
0x22: {  	[tilespmem:s18+$0x2860] =	vst v0  }
0x23: {  	[spmem:s4] =	stream.linear.scatter [tilespmem:s13], [sflag:$0x1], $0x4000, $0x38;
	[tilespmem:$0x1A400] =	vst v63  }
0x24: {  	_ =	swait.ge [sflag:s12], $0x4000  }
0x25: {  	[sflag:s12] =	ssyncset.done $0x0  }
0x26: {  	[sflag:s12] =	ssyncadd.s32 $0xFFFFC000  }
0x27: {  	[spmem:s9] =	stream.linear.scatter [tilespmem:s13], [sflag:$0x1], $0x4000, $0x38;
	[tilespmem:$0x1A400] =	vst v63  }
0x28: {  	_ =	swait.ge [sflag:s12], $0x4000  }
0x29: {  	[sflag:s12] =	ssyncset.done $0x0  }
0x2a: {  	[sflag:s12] =	ssyncadd.s32 $0xFFFFC000  }
0x2b: {  	[spmem:s10] =	stream.linear.scatter [tilespmem:s13], [sflag:$0x1], $0x4000, $0x38;
	[tilespmem:$0x1A400] =	vst v63  }
0x2c: {  	_ =	swait.ge [sflag:s12], $0x4000  }
0x2d: {  	[sflag:s12] =	ssyncset.done $0x0  }
0x2e: {  	[sflag:s12] =	ssyncadd.s32 $0xFFFFC000  }
0x2f: {  	[spmem:s11] =	stream.linear.scatter [tilespmem:s13], [sflag:$0x1], $0x4000, $0x38;
	[tilespmem:$0x1A400] =	vst v63  }
0x30: {  	_ =	swait.ge [sflag:s12], $0x4000  }
0x31: {  	[sflag:s12] =	ssyncset.done $0x0  }
0x32: {  	[sflag:s12] =	ssyncadd.s32 $0xFFFFC000  }
0x33: {  	[spmem:s6] =	stream.linear.scatter [tilespmem:s13], [sflag:$0x1], $0x3C00, $0x38;
	[tilespmem:$0x1A400] =	vst v63  }
0x34: {  	_ =	swait.ge [sflag:s12], $0x3C00  }
0x35: {  	[sflag:s12] =	ssyncset.done $0x0  }
0x36: {  	s18 =	simm.s32 $0x0;
	s19 =	simm.s32 $0x200;
	[sflag:s12] =	ssyncadd.s32 $0xFFFFC400  }
.LBB2_4:
0x37: {  	p0 =	sne.s32 s19, $0xFE00;
	[tilespmem:s18+$0x2870] =	vst v1  }
0x38: {  	[tilespmem:s18+$0x2800] =	vst v1  }
0x39: {  	[tilespmem:s18+$0x2810] =	vst v1  }
.Ltmp1:
0x3a: {  	[tilespmem:s18+$0x2820] =	vst v1;
	(pc) =	sbr.rel @p0 .LBB2_4-.Ltmp1, $4  }
0x3b: {  	[tilespmem:s18+$0x2830] =	vst v1  }
0x3c: {  	[tilespmem:s18+$0x2840] =	vst v1  }
0x3d: {  	[tilespmem:s18+$0x2850] =	vst v1  }
0x3e: {  	[tilespmem:s18+$0x2860] =	vst v1;
	s18 =	sshra.s32 s19, $0x2;
	s19 =	sadd.s32 $0x200, s19  }
0x3f: {  	[tilespmem:s18+$0x2870] =	vst v1  }
0x40: {  	[tilespmem:s18+$0x2800] =	vst v1  }
0x41: {  	[tilespmem:s18+$0x2810] =	vst v1  }
0x42: {  	[tilespmem:s18+$0x2820] =	vst v1  }
0x43: {  	[tilespmem:s18+$0x2830] =	vst v1  }
0x44: {  	[tilespmem:s18+$0x2840] =	vst v1  }
0x45: {  	[tilespmem:s18+$0x2850] =	vst v1  }
0x46: {  	[tilespmem:s18+$0x2860] =	vst v1  }
0x47: {  	s31 =	simm.s32 $0x0;
	[bflag:$0x0] =	sbarrier.arrive $0xFFFF  }
0x48: {  	[spmem:s2] =	stream.indirect.scatter.add.f32 [tilespmem:s13], [sflag:$0x1], $0x80, s31, s14, $0xb8;
	[tilespmem:$0x1A400] =	vst v63  }
0x49: {  	_ =	swait.ge [sflag:s12], $0x4000  }
0x4a: {  	s18 =	simm.s32 $0x200;
	[sflag:s12] =	ssyncset.done $0x0  }
.LBB2_6:
0x4b: {  	s19 =	sshra.s32 s18, $0x2;
	[sflag:s12] =	ssyncadd.s32 $0xFFFFC000;
	p0 =	sne.s32 s18, $0x9C00  }
0x4c: {  	[spmem:s2] =	stream.indirect.scatter.add.f32 [tilespmem:s13], [sflag:$0x1], $0x80, s19, s14, $0xb8;
	[tilespmem:$0x1A400] =	vst v63  }
.Ltmp2:
0x4d: {  	_ = 	snop;
	(pc) =	sbr.rel @p0 .LBB2_6-.Ltmp2, $4  }
0x4e: {  	_ = 	snop  }
0x4f: {  	s18 =	sadd.s32 $0x200, s18  }
0x50: {  	_ =	swait.ge [sflag:s12], $0x4000  }
0x51: {  	[sflag:s12] =	ssyncset.done $0x0  }
0x52: {  	s17 =	sadd.s32 $0x1, s17  }
0x53: {  	[sflag:s12] =	ssyncadd.s32 $0xFFFFC000;
	p0 =	sne.s32 s17, s8  }
.Ltmp3:
0x54: {  	[bflag:$0x0] =	sbarrier.arrive $0xFFFF;
	(pc) =	sbr.rel @p0 .LBB2_1-.Ltmp3, $4  }
0x55: {  	[hbm:s7], [sflag:s15] =	dma.local [spmem:s16], $0x2780  }
0x56: {  	_ =	swait.ge [sflag:s12], $0x2780  }
0x57: {  	[sflag:s12] =	ssyncset.done $0x0  }
0x58: {  	[sflag:s12] =	ssyncadd.s32 $0xFFFFD880  }
0x59: {  	_ =	sfence.sel $0x180000  }
0x5a: {  	[bflag:$0x0] =	sbarrier.arrive $0xFFFF  }
0x5b: {  	p0 =	sne.s32 s1, $0x0;
	_ =	strace $0x90000047  }
0x5c: {  	s0 =	sadd.s32 @!p0 $0x100000, s0;
	[bflag:$0x2] =	sbarrier.arrive $0xFFFF  }
0x5d: {  	[sflag:s0] =	ssyncadd.tile.s32 @!p0 $0x1;
	_ =	shalt  }
.Lfunc_end2:
_tile_overlayer_lowered:
.L_overlay_start_2:
0x5e: {  	(tag) =	ssettag $0x2  }
0x5f: {  	s0 =	rddreg [dreg:$0x0];
	s2 =	stileid.u32  }
0x60: {  	s1 =	rddreg [dreg:$0x1];
	p0 =	sne.s32 s2, $0x0  }
0x61: {  	s3 =	rddreg [dreg:$0x2];
	[bflag:$0x3] =	sbarrier.arrive $0xFFFF;
	s2 =	simm.s32 @!p0 $0x1C01  }
0x62: {  	[timem:s3], [sflag:s2] =	dma.local @!p0 [hbm:s0], s1  }
0x63: {  	s0 =	simm.s32 @!p0 $0x1  }
0x64: {  	_ =	swait.ge @!p0 [sflag:s0], s1  }
0x65: {  	s1 =	ssub.s32 @!p0 $0x0, s1;
	[sflag:s0] =	ssyncset.done @!p0 $0x0  }
0x66: {  	[sflag:s0] =	ssyncadd.s32 @!p0 s1  }
0x67: {  	[bflag:$0x3] =	sbarrier.arrive $0xFFFF  }
0x68: {  	_ =	shalt  }

</sc_bundles>
